<compile_context>
chip_gen: v7x
topology: tpu7x:2x2x1
jax: 0.10.2.dev20260603
libtpu: 0.0.44.dev20260713+nightly
codegen_flags: <defaults>
</compile_context>

<pallas_src>
import jax
import jax.numpy as jnp
from jax import lax
from jax.experimental import pallas as pl
from jax.experimental.pallas import tpu as pltpu
from jax.experimental.pallas import tpu_sc as plsc

_B = 16
_N = 16384
_NPOINT = 512
_L = 16
_NCHUNK = _N // _L


def _fps_kernel(xt_hbm, far0_hbm, out_hbm, x_v, dist_v, out_v, far0_v):
    cid = lax.axis_index("c")
    sid = lax.axis_index("s")
    wid = sid * 2 + cid

    @pl.when(wid < _B)
    def _():
        b = wid
        pltpu.sync_copy(xt_hbm.at[b], x_v)
        pltpu.sync_copy(far0_hbm, far0_v)
        bvec = jnp.full((_L,), b, dtype=jnp.int32)
        far_v = plsc.load_gather(far0_v, [bvec])

        big = jnp.full((_L,), 1e10, dtype=jnp.float32)

        @plsc.parallel_loop(0, _N, 8 * _L, unroll=2)
        def _init(off):
            for u in range(8):
                dist_v[pl.ds(off + u * _L, _L)] = big

        lane = lax.iota(jnp.int32, _L)
        mask0 = lane == 0
        _U = 8

        def step(t, far_v):
            tvec = jnp.full((_L,), t, dtype=jnp.int32)
            plsc.store_scatter(out_v, [tvec], far_v, mask=mask0)
            c0 = plsc.load_gather(x_v, [far_v])
            c1 = plsc.load_gather(x_v, [far_v + _N])
            c2 = plsc.load_gather(x_v, [far_v + 2 * _N])

            init = tuple(
                (jnp.full((_L,), -1.0, jnp.float32), jnp.zeros((_L,), jnp.int32))
                for _ in range(_U)
            )

            @plsc.parallel_loop(0, _N, _U * _L, unroll=1, carry=init)
            def accs(goff, accs):
                goff_v = jnp.full((_L,), goff, dtype=jnp.int32)
                out = []
                for u in range(_U):
                    best, bidx = accs[u]
                    off = goff + u * _L
                    d0 = x_v[pl.ds(off, _L)] - c0
                    d1 = x_v[pl.ds(_N + off, _L)] - c1
                    d2 = x_v[pl.ds(2 * _N + off, _L)] - c2
                    d = (d0 * d0 + d1 * d1) + d2 * d2
                    nd = jnp.minimum(dist_v[pl.ds(off, _L)], d)
                    dist_v[pl.ds(off, _L)] = nd
                    pred = nd > best
                    out.append((
                        jnp.where(pred, nd, best),
                        jnp.where(pred, goff_v, bidx),
                    ))
                return tuple(out)

            accs = tuple(
                (bu, iu + (lane + u * _L)) for u, (bu, iu) in enumerate(accs)
            )
            best, bidx = accs[0]
            for u in range(1, _U):
                b2, i2 = accs[u]
                pred = (b2 > best) | ((b2 == best) & (i2 < bidx))
                best = jnp.where(pred, b2, best)
                bidx = jnp.where(pred, i2, bidx)
            m = jnp.max(best)
            cand = jnp.where(best == m, bidx, jnp.full((_L,), 2**30, jnp.int32))
            nf = jnp.min(cand)
            return jnp.full((_L,), nf, dtype=jnp.int32)

        lax.fori_loop(0, _NPOINT, step, far_v)
        pltpu.sync_copy(out_v, out_hbm.at[b])


@jax.jit
def kernel(x):
    xt = x[:, :, :3].transpose(0, 2, 1).reshape(_B, 3 * _N)
    fkey = jax.random.key(42)
    far0 = jax.random.randint(fkey, (_B,), 0, _N, dtype=jnp.int32)

    mesh = plsc.VectorSubcoreMesh(
        core_axis_name="c", subcore_axis_name="s", num_cores=2, num_subcores=16
    )
    fps = pl.kernel(
        _fps_kernel,
        out_type=jax.ShapeDtypeStruct((_B, _NPOINT), jnp.int32),
        mesh=mesh,
        compiler_params=pltpu.CompilerParams(needs_layout_passes=False),
        scratch_types=[
            pltpu.VMEM((3 * _N,), jnp.float32),
            pltpu.VMEM((_N,), jnp.float32),
            pltpu.VMEM((_NPOINT,), jnp.int32),
            pltpu.VMEM((_B,), jnp.int32),
        ],
    )
    out = fps(xt, far0)
    return out.astype(jnp.int64)

# --- scband reference (transcript-rebuilt; emitter-appended) ---
"""Pipeline reference for scband-sample-group-moudle-part-51144470561303 (READ-ONLY COPY).

The authoritative reference and input builder live on the scoring server;
editing this copy changes nothing except your own understanding.
"""

import jax, jax.numpy as jnp
import numpy as np

KEY_NUM = 512


def setup_inputs(seed: int = 0) -> dict:
    key = jax.random.key(seed)
    x = jax.random.normal(key, (16, 16384, 3), dtype=jnp.float32)
    return {"x": x}


def farthest_point_sample(xyz, npoint):
    # xyz: [B, N, 3] -> centroids idx [B, npoint]
    B, N, C = xyz.shape
    fkey = jax.random.key(42)
    farthest = jax.random.randint(fkey, (B,), 0, N, dtype=jnp.int32)
    distance = jnp.full((B, N), 1e10, dtype=jnp.float32)
    batch_idx = jnp.arange(B)

    def body(carry, _):
        dist_acc, far = carry
        centroid = xyz[batch_idx, far, :].reshape(B, 1, 3)
        d = jnp.sum((xyz - centroid) ** 2, axis=-1)
        dist_acc = jnp.minimum(dist_acc, d)  # distance[mask] = dist[mask]
        new_far = jnp.argmax(dist_acc, axis=-1).astype(jnp.int32)
        # emit the centroid chosen at the START of this iteration (matches torch loop)
        return (dist_acc, new_far), far

    (_, _), cents = jax.lax.scan(body, (distance, farthest), None, length=npoint)
    return cents.T.astype(jnp.int64)  # [B, npoint]


def reference(x):
    x3 = x[:, :, :3]
    fps_idx = farthest_point_sample(x3, KEY_NUM)
    return fps_idx

if __name__ == "__main__":
    import jax
    _d = setup_inputs()
    print(jax.jit(kernel)(*tuple(_d.values())))

</pallas_src>

<mosaic_0001>
#map = affine_map<(d0, d1) -> (0, 0)>
#map1 = affine_map<(d0, d1) -> (0)>
module attributes {stable_mosaic.version = 14 : i64} {
  func.func @_fps_kernel(%arg0: i32, %arg1: i32, %arg2: memref<16x49152xf32, #tpu.memory_space<hbm>>, %arg3: memref<16xi32, #tpu.memory_space<hbm>>, %arg4: memref<16x512xi32, #tpu.memory_space<hbm>>, %arg5: memref<49152xf32, #tpu.memory_space<vmem>>, %arg6: memref<16384xf32, #tpu.memory_space<vmem>>, %arg7: memref<512xi32, #tpu.memory_space<vmem>>, %arg8: memref<16xi32, #tpu.memory_space<vmem>>) attributes {dimension_semantics = [#tpu.dimension_semantics<core_parallel>, #tpu.dimension_semantics<subcore_parallel>], iteration_bounds = array<i64: 2, 16>, scalar_prefetch = 0 : i64, scratch_operands = 4 : i64, tpu.core_type = #tpu.core_type<sc_vector_subcore>, window_params = [{transform_indices = #map}, {transform_indices = #map1}, {transform_indices = #map}]} {
    %mul3A = arith.constant 2 : i32
    %mul3A_0 = arith.muli %arg1, %mul3A : i32
    %add3A = arith.addi %mul3A_0, %arg0 : i32
    %lt3A = arith.constant 16 : i32
    %lt3A_1 = arith.cmpi slt, %add3A, %lt3A : i32
    %convert_element_type3A = arith.extui %lt3A_1 : i1 to i32
    %cond3A = arith.constant 0 : i32
    %cond3A_2 = arith.cmpi ne, %convert_element_type3A, %cond3A : i32
    scf.if %cond3A_2 {
      "tpu.region"() ({
        %run_scoped3A = tpu.sem_alloc : memref<!tpu.dma_semaphore, #tpu.memory_space<semaphore_mem>>
        %dma_start3A = arith.constant 0 : i32
        %dma_start3A_14 = tpu.memref_slice %arg2[%add3A, %dma_start3A] : memref<16x49152xf32, #tpu.memory_space<hbm>> -> memref<1x49152xf32, #tpu.memory_space<hbm>>
        %dma_start3A_15 = tpu.memref_squeeze %dma_start3A_14 : memref<1x49152xf32, #tpu.memory_space<hbm>> -> memref<49152xf32, #tpu.memory_space<hbm>>
        %dma_start3A_16 = arith.constant 0 : i32
        %dma_start3A_17 = tpu.memref_slice %arg2[%add3A, %dma_start3A_16] : memref<16x49152xf32, #tpu.memory_space<hbm>> -> memref<1x49152xf32, #tpu.memory_space<hbm>>
        %dma_start3A_18 = tpu.memref_squeeze %dma_start3A_17 : memref<1x49152xf32, #tpu.memory_space<hbm>> -> memref<49152xf32, #tpu.memory_space<hbm>>
        tpu.enqueue_dma source(%dma_start3A_18 : memref<49152xf32, #tpu.memory_space<hbm>>) target(%arg5 : memref<49152xf32, #tpu.memory_space<vmem>>) target_semaphore(%run_scoped3A : memref<!tpu.dma_semaphore, #tpu.memory_space<semaphore_mem>>)
        %dma_wait3A = arith.constant 0 : i32
        %dma_wait3A_19 = tpu.memref_slice %arg2[%add3A, %dma_wait3A] : memref<16x49152xf32, #tpu.memory_space<hbm>> -> memref<1x49152xf32, #tpu.memory_space<hbm>>
        %dma_wait3A_20 = tpu.memref_squeeze %dma_wait3A_19 : memref<1x49152xf32, #tpu.memory_space<hbm>> -> memref<49152xf32, #tpu.memory_space<hbm>>
        %dma_wait3A_21 = arith.constant 0 : i32
        %dma_wait3A_22 = tpu.memref_slice %arg2[%add3A, %dma_wait3A_21] : memref<16x49152xf32, #tpu.memory_space<hbm>> -> memref<1x49152xf32, #tpu.memory_space<hbm>>
        %dma_wait3A_23 = tpu.memref_squeeze %dma_wait3A_22 : memref<1x49152xf32, #tpu.memory_space<hbm>> -> memref<49152xf32, #tpu.memory_space<hbm>>
        tpu.wait_dma2 semaphore(%run_scoped3A : memref<!tpu.dma_semaphore, #tpu.memory_space<semaphore_mem>>) src(%dma_wait3A_23 : memref<49152xf32, #tpu.memory_space<hbm>>) dst(%arg5 : memref<49152xf32, #tpu.memory_space<vmem>>)
        tpu.yield
      }) : () -> ()
      "tpu.region"() ({
        %run_scoped3A = tpu.sem_alloc : memref<!tpu.dma_semaphore, #tpu.memory_space<semaphore_mem>>
        tpu.enqueue_dma source(%arg3 : memref<16xi32, #tpu.memory_space<hbm>>) target(%arg8 : memref<16xi32, #tpu.memory_space<vmem>>) target_semaphore(%run_scoped3A : memref<!tpu.dma_semaphore, #tpu.memory_space<semaphore_mem>>)
        tpu.wait_dma2 semaphore(%run_scoped3A : memref<!tpu.dma_semaphore, #tpu.memory_space<semaphore_mem>>) src(%arg3 : memref<16xi32, #tpu.memory_space<hbm>>) dst(%arg8 : memref<16xi32, #tpu.memory_space<vmem>>)
        tpu.yield
      }) : () -> ()
      %broadcast_in_dim3A = vector.broadcast %add3A : i32 to vector<16xi32>
      %gather3A = tpu.vector_load_idx %arg8[%broadcast_in_dim3A] : memref<16xi32, #tpu.memory_space<vmem>>[vector<16xi32>], vector<16xi32>,
      %broadcast_in_dim3A_3 = arith.constant 1.000000e+10 : f32
      %broadcast_in_dim3A_4 = vector.broadcast %broadcast_in_dim3A_3 : f32 to vector<16xf32>
      %parallel_loop3A = arith.constant 0 : i32
      %parallel_loop3A_5 = arith.constant 16384 : i32
      %parallel_loop3A_6 = arith.constant 128 : i32
      scf.for %parallel_loop3A_14 = %parallel_loop3A to %parallel_loop3A_5 step %parallel_loop3A_6  : i32 {
        %parallel_loop3A_15 = arith.constant 0 : i32
        %parallel_loop3A_16 = arith.addi %parallel_loop3A_14, %parallel_loop3A_15 : i32
        %parallel_loop3A_17 = arith.index_cast %parallel_loop3A_16 : i32 to index
        %parallel_loop3A_18 = tpu.vector_load %arg6[%parallel_loop3A_17] {strides = array<i32>} : memref<16384xf32, #tpu.memory_space<vmem>>, vector<16xf32>,
        tpu.vector_store %arg6[%parallel_loop3A_17], %broadcast_in_dim3A_4 {strides = array<i32>} : memref<16384xf32, #tpu.memory_space<vmem>>, vector<16xf32>,
        %parallel_loop3A_19 = arith.constant 16 : i32
        %parallel_loop3A_20 = arith.addi %parallel_loop3A_14, %parallel_loop3A_19 : i32
        %parallel_loop3A_21 = arith.index_cast %parallel_loop3A_20 : i32 to index
        %parallel_loop3A_22 = tpu.vector_load %arg6[%parallel_loop3A_21] {strides = array<i32>} : memref<16384xf32, #tpu.memory_space<vmem>>, vector<16xf32>,
        tpu.vector_store %arg6[%parallel_loop3A_21], %broadcast_in_dim3A_4 {strides = array<i32>} : memref<16384xf32, #tpu.memory_space<vmem>>, vector<16xf32>,
        %parallel_loop3A_23 = arith.constant 32 : i32
        %parallel_loop3A_24 = arith.addi %parallel_loop3A_14, %parallel_loop3A_23 : i32
        %parallel_loop3A_25 = arith.index_cast %parallel_loop3A_24 : i32 to index
        %parallel_loop3A_26 = tpu.vector_load %arg6[%parallel_loop3A_25] {strides = array<i32>} : memref<16384xf32, #tpu.memory_space<vmem>>, vector<16xf32>,
        tpu.vector_store %arg6[%parallel_loop3A_25], %broadcast_in_dim3A_4 {strides = array<i32>} : memref<16384xf32, #tpu.memory_space<vmem>>, vector<16xf32>,
        %parallel_loop3A_27 = arith.constant 48 : i32
        %parallel_loop3A_28 = arith.addi %parallel_loop3A_14, %parallel_loop3A_27 : i32
        %parallel_loop3A_29 = arith.index_cast %parallel_loop3A_28 : i32 to index
        %parallel_loop3A_30 = tpu.vector_load %arg6[%parallel_loop3A_29] {strides = array<i32>} : memref<16384xf32, #tpu.memory_space<vmem>>, vector<16xf32>,
        tpu.vector_store %arg6[%parallel_loop3A_29], %broadcast_in_dim3A_4 {strides = array<i32>} : memref<16384xf32, #tpu.memory_space<vmem>>, vector<16xf32>,
        %parallel_loop3A_31 = arith.constant 64 : i32
        %parallel_loop3A_32 = arith.addi %parallel_loop3A_14, %parallel_loop3A_31 : i32
        %parallel_loop3A_33 = arith.index_cast %parallel_loop3A_32 : i32 to index
        %parallel_loop3A_34 = tpu.vector_load %arg6[%parallel_loop3A_33] {strides = array<i32>} : memref<16384xf32, #tpu.memory_space<vmem>>, vector<16xf32>,
        tpu.vector_store %arg6[%parallel_loop3A_33], %broadcast_in_dim3A_4 {strides = array<i32>} : memref<16384xf32, #tpu.memory_space<vmem>>, vector<16xf32>,
        %parallel_loop3A_35 = arith.constant 80 : i32
        %parallel_loop3A_36 = arith.addi %parallel_loop3A_14, %parallel_loop3A_35 : i32
        %parallel_loop3A_37 = arith.index_cast %parallel_loop3A_36 : i32 to index
        %parallel_loop3A_38 = tpu.vector_load %arg6[%parallel_loop3A_37] {strides = array<i32>} : memref<16384xf32, #tpu.memory_space<vmem>>, vector<16xf32>,
        tpu.vector_store %arg6[%parallel_loop3A_37], %broadcast_in_dim3A_4 {strides = array<i32>} : memref<16384xf32, #tpu.memory_space<vmem>>, vector<16xf32>,
        %parallel_loop3A_39 = arith.constant 96 : i32
        %parallel_loop3A_40 = arith.addi %parallel_loop3A_14, %parallel_loop3A_39 : i32
        %parallel_loop3A_41 = arith.index_cast %parallel_loop3A_40 : i32 to index
        %parallel_loop3A_42 = tpu.vector_load %arg6[%parallel_loop3A_41] {strides = array<i32>} : memref<16384xf32, #tpu.memory_space<vmem>>, vector<16xf32>,
        tpu.vector_store %arg6[%parallel_loop3A_41], %broadcast_in_dim3A_4 {strides = array<i32>} : memref<16384xf32, #tpu.memory_space<vmem>>, vector<16xf32>,
        %parallel_loop3A_43 = arith.constant 112 : i32
        %parallel_loop3A_44 = arith.addi %parallel_loop3A_14, %parallel_loop3A_43 : i32
        %parallel_loop3A_45 = arith.index_cast %parallel_loop3A_44 : i32 to index
        %parallel_loop3A_46 = tpu.vector_load %arg6[%parallel_loop3A_45] {strides = array<i32>} : memref<16384xf32, #tpu.memory_space<vmem>>, vector<16xf32>,
        tpu.vector_store %arg6[%parallel_loop3A_45], %broadcast_in_dim3A_4 {strides = array<i32>} : memref<16384xf32, #tpu.memory_space<vmem>>, vector<16xf32>,
      } {sc.loop_unroll_factor = 2 : i64, sc.parallel_access}
      %iota3A = tpu.iota {dimensions = array<i32: 0>} : vector<16xi32>
      %eq3A = arith.constant 0 : i32
      %eq3A_7 = vector.broadcast %eq3A : i32 to vector<16xi32>
      %eq3A_8 = arith.cmpi eq, %iota3A, %eq3A_7 : vector<16xi32>
      %scan3A = arith.constant 0 : i32
      %scan3A_9 = arith.constant 512 : i32
      %scan3A_10 = arith.addi %scan3A, %scan3A_9 : i32
      %scan3A_11 = arith.constant 1 : i32
      %scan3A_12 = scf.for %scan3A_14 = %scan3A to %scan3A_10 step %scan3A_11 iter_args(%scan3A_15 = %gather3A) -> (vector<16xi32>)  : i32 {
        %broadcast_in_dim3A_16 = vector.broadcast %scan3A_14 : i32 to vector<16xi32>
        tpu.vector_store_idx %arg7[%broadcast_in_dim3A_16], %scan3A_15 masked %eq3A_8 : memref<512xi32, #tpu.memory_space<vmem>>[vector<16xi32>], vector<16xi32>, vector<16xi1>
        %gather3A_17 = tpu.vector_load_idx %arg5[%scan3A_15] : memref<49152xf32, #tpu.memory_space<vmem>>[vector<16xi32>], vector<16xf32>,
        %add3A_18 = arith.constant 16384 : i32
        %add3A_19 = vector.broadcast %add3A_18 : i32 to vector<16xi32>
        %add3A_20 = arith.addi %scan3A_15, %add3A_19 : vector<16xi32>
        %gather3A_21 = tpu.vector_load_idx %arg5[%add3A_20] : memref<49152xf32, #tpu.memory_space<vmem>>[vector<16xi32>], vector<16xf32>,
        %add3A_22 = arith.constant 32768 : i32
        %add3A_23 = vector.broadcast %add3A_22 : i32 to vector<16xi32>
        %add3A_24 = arith.addi %scan3A_15, %add3A_23 : vector<16xi32>
        %gather3A_25 = tpu.vector_load_idx %arg5[%add3A_24] : memref<49152xf32, #tpu.memory_space<vmem>>[vector<16xi32>], vector<16xf32>,
        %broadcast_in_dim3A_26 = arith.constant -1.000000e+00 : f32
        %broadcast_in_dim3A_27 = vector.broadcast %broadcast_in_dim3A_26 : f32 to vector<16xf32>
        %broadcast_in_dim3A_28 = arith.constant 0 : i32
        %broadcast_in_dim3A_29 = vector.broadcast %broadcast_in_dim3A_28 : i32 to vector<16xi32>
        %broadcast_in_dim3A_30 = arith.constant -1.000000e+00 : f32
        %broadcast_in_dim3A_31 = vector.broadcast %broadcast_in_dim3A_30 : f32 to vector<16xf32>
        %broadcast_in_dim3A_32 = arith.constant 0 : i32
        %broadcast_in_dim3A_33 = vector.broadcast %broadcast_in_dim3A_32 : i32 to vector<16xi32>
        %broadcast_in_dim3A_34 = arith.constant -1.000000e+00 : f32
        %broadcast_in_dim3A_35 = vector.broadcast %broadcast_in_dim3A_34 : f32 to vector<16xf32>
        %broadcast_in_dim3A_36 = arith.constant 0 : i32
        %broadcast_in_dim3A_37 = vector.broadcast %broadcast_in_dim3A_36 : i32 to vector<16xi32>
        %broadcast_in_dim3A_38 = arith.constant -1.000000e+00 : f32
        %broadcast_in_dim3A_39 = vector.broadcast %broadcast_in_dim3A_38 : f32 to vector<16xf32>
        %broadcast_in_dim3A_40 = arith.constant 0 : i32
        %broadcast_in_dim3A_41 = vector.broadcast %broadcast_in_dim3A_40 : i32 to vector<16xi32>
        %broadcast_in_dim3A_42 = arith.constant -1.000000e+00 : f32
        %broadcast_in_dim3A_43 = vector.broadcast %broadcast_in_dim3A_42 : f32 to vector<16xf32>
        %broadcast_in_dim3A_44 = arith.constant 0 : i32
        %broadcast_in_dim3A_45 = vector.broadcast %broadcast_in_dim3A_44 : i32 to vector<16xi32>
        %broadcast_in_dim3A_46 = arith.constant -1.000000e+00 : f32
        %broadcast_in_dim3A_47 = vector.broadcast %broadcast_in_dim3A_46 : f32 to vector<16xf32>
        %broadcast_in_dim3A_48 = arith.constant 0 : i32
        %broadcast_in_dim3A_49 = vector.broadcast %broadcast_in_dim3A_48 : i32 to vector<16xi32>
        %broadcast_in_dim3A_50 = arith.constant -1.000000e+00 : f32
        %broadcast_in_dim3A_51 = vector.broadcast %broadcast_in_dim3A_50 : f32 to vector<16xf32>
        %broadcast_in_dim3A_52 = arith.constant 0 : i32
        %broadcast_in_dim3A_53 = vector.broadcast %broadcast_in_dim3A_52 : i32 to vector<16xi32>
        %broadcast_in_dim3A_54 = arith.constant -1.000000e+00 : f32
        %broadcast_in_dim3A_55 = vector.broadcast %broadcast_in_dim3A_54 : f32 to vector<16xf32>
        %broadcast_in_dim3A_56 = arith.constant 0 : i32
        %broadcast_in_dim3A_57 = vector.broadcast %broadcast_in_dim3A_56 : i32 to vector<16xi32>
        %parallel_loop3A_58 = arith.constant 0 : i32
        %parallel_loop3A_59 = arith.constant 16384 : i32
        %parallel_loop3A_60 = arith.constant 128 : i32
        %parallel_loop3A_61:16 = scf.for %parallel_loop3A_155 = %parallel_loop3A_58 to %parallel_loop3A_59 step %parallel_loop3A_60 iter_args(%parallel_loop3A_156 = %broadcast_in_dim3A_27, %parallel_loop3A_157 = %broadcast_in_dim3A_29, %parallel_loop3A_158 = %broadcast_in_dim3A_31, %parallel_loop3A_159 = %broadcast_in_dim3A_33, %parallel_loop3A_160 = %broadcast_in_dim3A_35, %parallel_loop3A_161 = %broadcast_in_dim3A_37, %parallel_loop3A_162 = %broadcast_in_dim3A_39, %parallel_loop3A_163 = %broadcast_in_dim3A_41, %parallel_loop3A_164 = %broadcast_in_dim3A_43, %parallel_loop3A_165 = %broadcast_in_dim3A_45, %parallel_loop3A_166 = %broadcast_in_dim3A_47, %parallel_loop3A_167 = %broadcast_in_dim3A_49, %parallel_loop3A_168 = %broadcast_in_dim3A_51, %parallel_loop3A_169 = %broadcast_in_dim3A_53, %parallel_loop3A_170 = %broadcast_in_dim3A_55, %parallel_loop3A_171 = %broadcast_in_dim3A_57) -> (vector<16xf32>, vector<16xi32>, vector<16xf32>, vector<16xi32>, vector<16xf32>, vector<16xi32>, vector<16xf32>, vector<16xi32>, vector<16xf32>, vector<16xi32>, vector<16xf32>, vector<16xi32>, vector<16xf32>, vector<16xi32>, vector<16xf32>, vector<16xi32>)  : i32 {
          %parallel_loop3A_172 = vector.broadcast %parallel_loop3A_155 : i32 to vector<16xi32>
          %parallel_loop3A_173 = arith.constant 0 : i32
          %parallel_loop3A_174 = arith.addi %parallel_loop3A_155, %parallel_loop3A_173 : i32
          %parallel_loop3A_175 = arith.index_cast %parallel_loop3A_174 : i32 to index
          %parallel_loop3A_176 = tpu.vector_load %arg5[%parallel_loop3A_175] {strides = array<i32>} : memref<49152xf32, #tpu.memory_space<vmem>>, vector<16xf32>,
          %parallel_loop3A_177 = arith.subf %parallel_loop3A_176, %gather3A_17 : vector<16xf32>
          %parallel_loop3A_178 = arith.constant 16384 : i32
          %parallel_loop3A_179 = arith.addi %parallel_loop3A_178, %parallel_loop3A_174 : i32
          %parallel_loop3A_180 = arith.index_cast %parallel_loop3A_179 : i32 to index
          %parallel_loop3A_181 = tpu.vector_load %arg5[%parallel_loop3A_180] {strides = array<i32>} : memref<49152xf32, #tpu.memory_space<vmem>>, vector<16xf32>,
          %parallel_loop3A_182 = arith.subf %parallel_loop3A_181, %gather3A_21 : vector<16xf32>
          %parallel_loop3A_183 = arith.constant 32768 : i32
          %parallel_loop3A_184 = arith.addi %parallel_loop3A_183, %parallel_loop3A_174 : i32
          %parallel_loop3A_185 = arith.index_cast %parallel_loop3A_184 : i32 to index
          %parallel_loop3A_186 = tpu.vector_load %arg5[%parallel_loop3A_185] {strides = array<i32>} : memref<49152xf32, #tpu.memory_space<vmem>>, vector<16xf32>,
          %parallel_loop3A_187 = arith.subf %parallel_loop3A_186, %gather3A_25 : vector<16xf32>
          %parallel_loop3A_188 = arith.mulf %parallel_loop3A_177, %parallel_loop3A_177 : vector<16xf32>
          %parallel_loop3A_189 = arith.mulf %parallel_loop3A_182, %parallel_loop3A_182 : vector<16xf32>
          %parallel_loop3A_190 = arith.addf %parallel_loop3A_188, %parallel_loop3A_189 : vector<16xf32>
          %parallel_loop3A_191 = arith.mulf %parallel_loop3A_187, %parallel_loop3A_187 : vector<16xf32>
          %parallel_loop3A_192 = arith.addf %parallel_loop3A_190, %parallel_loop3A_191 : vector<16xf32>
          %parallel_loop3A_193 = arith.index_cast %parallel_loop3A_174 : i32 to index
          %parallel_loop3A_194 = tpu.vector_load %arg6[%parallel_loop3A_193] {strides = array<i32>} : memref<16384xf32, #tpu.memory_space<vmem>>, vector<16xf32>,
          %parallel_loop3A_195 = arith.minimumf %parallel_loop3A_194, %parallel_loop3A_192 : vector<16xf32>
          %parallel_loop3A_196 = arith.index_cast %parallel_loop3A_174 : i32 to index
          %parallel_loop3A_197 = tpu.vector_load %arg6[%parallel_loop3A_196] {strides = array<i32>} : memref<16384xf32, #tpu.memory_space<vmem>>, vector<16xf32>,
          tpu.vector_store %arg6[%parallel_loop3A_196], %parallel_loop3A_195 {strides = array<i32>} : memref<16384xf32, #tpu.memory_space<vmem>>, vector<16xf32>,
          %parallel_loop3A_198 = arith.cmpf ogt, %parallel_loop3A_195, %parallel_loop3A_156 : vector<16xf32>
          %parallel_loop3A_199 = arith.select %parallel_loop3A_198, %parallel_loop3A_195, %parallel_loop3A_156 : vector<16xi1>, vector<16xf32>
          %parallel_loop3A_200 = arith.select %parallel_loop3A_198, %parallel_loop3A_172, %parallel_loop3A_157 : vector<16xi1>, vector<16xi32>
          %parallel_loop3A_201 = arith.constant 16 : i32
          %parallel_loop3A_202 = arith.addi %parallel_loop3A_155, %parallel_loop3A_201 : i32
          %parallel_loop3A_203 = arith.index_cast %parallel_loop3A_202 : i32 to index
          %parallel_loop3A_204 = tpu.vector_load %arg5[%parallel_loop3A_203] {strides = array<i32>} : memref<49152xf32, #tpu.memory_space<vmem>>, vector<16xf32>,
          %parallel_loop3A_205 = arith.subf %parallel_loop3A_204, %gather3A_17 : vector<16xf32>
          %parallel_loop3A_206 = arith.constant 16384 : i32
          %parallel_loop3A_207 = arith.addi %parallel_loop3A_206, %parallel_loop3A_202 : i32
          %parallel_loop3A_208 = arith.index_cast %parallel_loop3A_207 : i32 to index
          %parallel_loop3A_209 = tpu.vector_load %arg5[%parallel_loop3A_208] {strides = array<i32>} : memref<49152xf32, #tpu.memory_space<vmem>>, vector<16xf32>,
          %parallel_loop3A_210 = arith.subf %parallel_loop3A_209, %gather3A_21 : vector<16xf32>
          %parallel_loop3A_211 = arith.constant 32768 : i32
          %parallel_loop3A_212 = arith.addi %parallel_loop3A_211, %parallel_loop3A_202 : i32
          %parallel_loop3A_213 = arith.index_cast %parallel_loop3A_212 : i32 to index
          %parallel_loop3A_214 = tpu.vector_load %arg5[%parallel_loop3A_213] {strides = array<i32>} : memref<49152xf32, #tpu.memory_space<vmem>>, vector<16xf32>,
          %parallel_loop3A_215 = arith.subf %parallel_loop3A_214, %gather3A_25 : vector<16xf32>
          %parallel_loop3A_216 = arith.mulf %parallel_loop3A_205, %parallel_loop3A_205 : vector<16xf32>
          %parallel_loop3A_217 = arith.mulf %parallel_loop3A_210, %parallel_loop3A_210 : vector<16xf32>
          %parallel_loop3A_218 = arith.addf %parallel_loop3A_216, %parallel_loop3A_217 : vector<16xf32>
          %parallel_loop3A_219 = arith.mulf %parallel_loop3A_215, %parallel_loop3A_215 : vector<16xf32>
          %parallel_loop3A_220 = arith.addf %parallel_loop3A_218, %parallel_loop3A_219 : vector<16xf32>
          %parallel_loop3A_221 = arith.index_cast %parallel_loop3A_202 : i32 to index
          %parallel_loop3A_222 = tpu.vector_load %arg6[%parallel_loop3A_221] {strides = array<i32>} : memref<16384xf32, #tpu.memory_space<vmem>>, vector<16xf32>,
          %parallel_loop3A_223 = arith.minimumf %parallel_loop3A_222, %parallel_loop3A_220 : vector<16xf32>
          %parallel_loop3A_224 = arith.index_cast %parallel_loop3A_202 : i32 to index
          %parallel_loop3A_225 = tpu.vector_load %arg6[%parallel_loop3A_224] {strides = array<i32>} : memref<16384xf32, #tpu.memory_space<vmem>>, vector<16xf32>,
          tpu.vector_store %arg6[%parallel_loop3A_224], %parallel_loop3A_223 {strides = array<i32>} : memref<16384xf32, #tpu.memory_space<vmem>>, vector<16xf32>,
          %parallel_loop3A_226 = arith.cmpf ogt, %parallel_loop3A_223, %parallel_loop3A_158 : vector<16xf32>
          %parallel_loop3A_227 = arith.select %parallel_loop3A_226, %parallel_loop3A_223, %parallel_loop3A_158 : vector<16xi1>, vector<16xf32>
          %parallel_loop3A_228 = arith.select %parallel_loop3A_226, %parallel_loop3A_172, %parallel_loop3A_159 : vector<16xi1>, vector<16xi32>
          %parallel_loop3A_229 = arith.constant 32 : i32
          %parallel_loop3A_230 = arith.addi %parallel_loop3A_155, %parallel_loop3A_229 : i32
          %parallel_loop3A_231 = arith.index_cast %parallel_loop3A_230 : i32 to index
          %parallel_loop3A_232 = tpu.vector_load %arg5[%parallel_loop3A_231] {strides = array<i32>} : memref<49152xf32, #tpu.memory_space<vmem>>, vector<16xf32>,
          %parallel_loop3A_233 = arith.subf %parallel_loop3A_232, %gather3A_17 : vector<16xf32>
          %parallel_loop3A_234 = arith.constant 16384 : i32
          %parallel_loop3A_235 = arith.addi %parallel_loop3A_234, %parallel_loop3A_230 : i32
          %parallel_loop3A_236 = arith.index_cast %parallel_loop3A_235 : i32 to index
          %parallel_loop3A_237 = tpu.vector_load %arg5[%parallel_loop3A_236] {strides = array<i32>} : memref<49152xf32, #tpu.memory_space<vmem>>, vector<16xf32>,
          %parallel_loop3A_238 = arith.subf %parallel_loop3A_237, %gather3A_21 : vector<16xf32>
          %parallel_loop3A_239 = arith.constant 32768 : i32
          %parallel_loop3A_240 = arith.addi %parallel_loop3A_239, %parallel_loop3A_230 : i32
          %parallel_loop3A_241 = arith.index_cast %parallel_loop3A_240 : i32 to index
          %parallel_loop3A_242 = tpu.vector_load %arg5[%parallel_loop3A_241] {strides = array<i32>} : memref<49152xf32, #tpu.memory_space<vmem>>, vector<16xf32>,
          %parallel_loop3A_243 = arith.subf %parallel_loop3A_242, %gather3A_25 : vector<16xf32>
          %parallel_loop3A_244 = arith.mulf %parallel_loop3A_233, %parallel_loop3A_233 : vector<16xf32>
          %parallel_loop3A_245 = arith.mulf %parallel_loop3A_238, %parallel_loop3A_238 : vector<16xf32>
          %parallel_loop3A_246 = arith.addf %parallel_loop3A_244, %parallel_loop3A_245 : vector<16xf32>
          %parallel_loop3A_247 = arith.mulf %parallel_loop3A_243, %parallel_loop3A_243 : vector<16xf32>
          %parallel_loop3A_248 = arith.addf %parallel_loop3A_246, %parallel_loop3A_247 : vector<16xf32>
          %parallel_loop3A_249 = arith.index_cast %parallel_loop3A_230 : i32 to index
          %parallel_loop3A_250 = tpu.vector_load %arg6[%parallel_loop3A_249] {strides = array<i32>} : memref<16384xf32, #tpu.memory_space<vmem>>, vector<16xf32>,
          %parallel_loop3A_251 = arith.minimumf %parallel_loop3A_250, %parallel_loop3A_248 : vector<16xf32>
          %parallel_loop3A_252 = arith.index_cast %parallel_loop3A_230 : i32 to index
          %parallel_loop3A_253 = tpu.vector_load %arg6[%parallel_loop3A_252] {strides = array<i32>} : memref<16384xf32, #tpu.memory_space<vmem>>, vector<16xf32>,
          tpu.vector_store %arg6[%parallel_loop3A_252], %parallel_loop3A_251 {strides = array<i32>} : memref<16384xf32, #tpu.memory_space<vmem>>, vector<16xf32>,
          %parallel_loop3A_254 = arith.cmpf ogt, %parallel_loop3A_251, %parallel_loop3A_160 : vector<16xf32>
          %parallel_loop3A_255 = arith.select %parallel_loop3A_254, %parallel_loop3A_251, %parallel_loop3A_160 : vector<16xi1>, vector<16xf32>
          %parallel_loop3A_256 = arith.select %parallel_loop3A_254, %parallel_loop3A_172, %parallel_loop3A_161 : vector<16xi1>, vector<16xi32>
          %parallel_loop3A_257 = arith.constant 48 : i32
          %parallel_loop3A_258 = arith.addi %parallel_loop3A_155, %parallel_loop3A_257 : i32
          %parallel_loop3A_259 = arith.index_cast %parallel_loop3A_258 : i32 to index
          %parallel_loop3A_260 = tpu.vector_load %arg5[%parallel_loop3A_259] {strides = array<i32>} : memref<49152xf32, #tpu.memory_space<vmem>>, vector<16xf32>,
          %parallel_loop3A_261 = arith.subf %parallel_loop3A_260, %gather3A_17 : vector<16xf32>
          %parallel_loop3A_262 = arith.constant 16384 : i32
          %parallel_loop3A_263 = arith.addi %parallel_loop3A_262, %parallel_loop3A_258 : i32
          %parallel_loop3A_264 = arith.index_cast %parallel_loop3A_263 : i32 to index
          %parallel_loop3A_265 = tpu.vector_load %arg5[%parallel_loop3A_264] {strides = array<i32>} : memref<49152xf32, #tpu.memory_space<vmem>>, vector<16xf32>,
          %parallel_loop3A_266 = arith.subf %parallel_loop3A_265, %gather3A_21 : vector<16xf32>
          %parallel_loop3A_267 = arith.constant 32768 : i32
          %parallel_loop3A_268 = arith.addi %parallel_loop3A_267, %parallel_loop3A_258 : i32
          %parallel_loop3A_269 = arith.index_cast %parallel_loop3A_268 : i32 to index
          %parallel_loop3A_270 = tpu.vector_load %arg5[%parallel_loop3A_269] {strides = array<i32>} : memref<49152xf32, #tpu.memory_space<vmem>>, vector<16xf32>,
          %parallel_loop3A_271 = arith.subf %parallel_loop3A_270, %gather3A_25 : vector<16xf32>
          %parallel_loop3A_272 = arith.mulf %parallel_loop3A_261, %parallel_loop3A_261 : vector<16xf32>
          %parallel_loop3A_273 = arith.mulf %parallel_loop3A_266, %parallel_loop3A_266 : vector<16xf32>
          %parallel_loop3A_274 = arith.addf %parallel_loop3A_272, %parallel_loop3A_273 : vector<16xf32>
          %parallel_loop3A_275 = arith.mulf %parallel_loop3A_271, %parallel_loop3A_271 : vector<16xf32>
          %parallel_loop3A_276 = arith.addf %parallel_loop3A_274, %parallel_loop3A_275 : vector<16xf32>
          %parallel_loop3A_277 = arith.index_cast %parallel_loop3A_258 : i32 to index
          %parallel_loop3A_278 = tpu.vector_load %arg6[%parallel_loop3A_277] {strides = array<i32>} : memref<16384xf32, #tpu.memory_space<vmem>>, vector<16xf32>,
          %parallel_loop3A_279 = arith.minimumf %parallel_loop3A_278, %parallel_loop3A_276 : vector<16xf32>
          %parallel_loop3A_280 = arith.index_cast %parallel_loop3A_258 : i32 to index
          %parallel_loop3A_281 = tpu.vector_load %arg6[%parallel_loop3A_280] {strides = array<i32>} : memref<16384xf32, #tpu.memory_space<vmem>>, vector<16xf32>,
          tpu.vector_store %arg6[%parallel_loop3A_280], %parallel_loop3A_279 {strides = array<i32>} : memref<16384xf32, #tpu.memory_space<vmem>>, vector<16xf32>,
          %parallel_loop3A_282 = arith.cmpf ogt, %parallel_loop3A_279, %parallel_loop3A_162 : vector<16xf32>
          %parallel_loop3A_283 = arith.select %parallel_loop3A_282, %parallel_loop3A_279, %parallel_loop3A_162 : vector<16xi1>, vector<16xf32>
          %parallel_loop3A_284 = arith.select %parallel_loop3A_282, %parallel_loop3A_172, %parallel_loop3A_163 : vector<16xi1>, vector<16xi32>
          %parallel_loop3A_285 = arith.constant 64 : i32
          %parallel_loop3A_286 = arith.addi %parallel_loop3A_155, %parallel_loop3A_285 : i32
          %parallel_loop3A_287 = arith.index_cast %parallel_loop3A_286 : i32 to index
          %parallel_loop3A_288 = tpu.vector_load %arg5[%parallel_loop3A_287] {strides = array<i32>} : memref<49152xf32, #tpu.memory_space<vmem>>, vector<16xf32>,
          %parallel_loop3A_289 = arith.subf %parallel_loop3A_288, %gather3A_17 : vector<16xf32>
          %parallel_loop3A_290 = arith.constant 16384 : i32
          %parallel_loop3A_291 = arith.addi %parallel_loop3A_290, %parallel_loop3A_286 : i32
          %parallel_loop3A_292 = arith.index_cast %parallel_loop3A_291 : i32 to index
          %parallel_loop3A_293 = tpu.vector_load %arg5[%parallel_loop3A_292] {strides = array<i32>} : memref<49152xf32, #tpu.memory_space<vmem>>, vector<16xf32>,
          %parallel_loop3A_294 = arith.subf %parallel_loop3A_293, %gather3A_21 : vector<16xf32>
          %parallel_loop3A_295 = arith.constant 32768 : i32
          %parallel_loop3A_296 = arith.addi %parallel_loop3A_295, %parallel_loop3A_286 : i32
          %parallel_loop3A_297 = arith.index_cast %parallel_loop3A_296 : i32 to index
          %parallel_loop3A_298 = tpu.vector_load %arg5[%parallel_loop3A_297] {strides = array<i32>} : memref<49152xf32, #tpu.memory_space<vmem>>, vector<16xf32>,
          %parallel_loop3A_299 = arith.subf %parallel_loop3A_298, %gather3A_25 : vector<16xf32>
          %parallel_loop3A_300 = arith.mulf %parallel_loop3A_289, %parallel_loop3A_289 : vector<16xf32>
          %parallel_loop3A_301 = arith.mulf %parallel_loop3A_294, %parallel_loop3A_294 : vector<16xf32>
          %parallel_loop3A_302 = arith.addf %parallel_loop3A_300, %parallel_loop3A_301 : vector<16xf32>
          %parallel_loop3A_303 = arith.mulf %parallel_loop3A_299, %parallel_loop3A_299 : vector<16xf32>
          %parallel_loop3A_304 = arith.addf %parallel_loop3A_302, %parallel_loop3A_303 : vector<16xf32>
          %parallel_loop3A_305 = arith.index_cast %parallel_loop3A_286 : i32 to index
          %parallel_loop3A_306 = tpu.vector_load %arg6[%parallel_loop3A_305] {strides = array<i32>} : memref<16384xf32, #tpu.memory_space<vmem>>, vector<16xf32>,
          %parallel_loop3A_307 = arith.minimumf %parallel_loop3A_306, %parallel_loop3A_304 : vector<16xf32>
          %parallel_loop3A_308 = arith.index_cast %parallel_loop3A_286 : i32 to index
          %parallel_loop3A_309 = tpu.vector_load %arg6[%parallel_loop3A_308] {strides = array<i32>} : memref<16384xf32, #tpu.memory_space<vmem>>, vector<16xf32>,
          tpu.vector_store %arg6[%parallel_loop3A_308], %parallel_loop3A_307 {strides = array<i32>} : memref<16384xf32, #tpu.memory_space<vmem>>, vector<16xf32>,
          %parallel_loop3A_310 = arith.cmpf ogt, %parallel_loop3A_307, %parallel_loop3A_164 : vector<16xf32>
          %parallel_loop3A_311 = arith.select %parallel_loop3A_310, %parallel_loop3A_307, %parallel_loop3A_164 : vector<16xi1>, vector<16xf32>
          %parallel_loop3A_312 = arith.select %parallel_loop3A_310, %parallel_loop3A_172, %parallel_loop3A_165 : vector<16xi1>, vector<16xi32>
          %parallel_loop3A_313 = arith.constant 80 : i32
          %parallel_loop3A_314 = arith.addi %parallel_loop3A_155, %parallel_loop3A_313 : i32
          %parallel_loop3A_315 = arith.index_cast %parallel_loop3A_314 : i32 to index
          %parallel_loop3A_316 = tpu.vector_load %arg5[%parallel_loop3A_315] {strides = array<i32>} : memref<49152xf32, #tpu.memory_space<vmem>>, vector<16xf32>,
          %parallel_loop3A_317 = arith.subf %parallel_loop3A_316, %gather3A_17 : vector<16xf32>
          %parallel_loop3A_318 = arith.constant 16384 : i32
          %parallel_loop3A_319 = arith.addi %parallel_loop3A_318, %parallel_loop3A_314 : i32
          %parallel_loop3A_320 = arith.index_cast %parallel_loop3A_319 : i32 to index
          %parallel_loop3A_321 = tpu.vector_load %arg5[%parallel_loop3A_320] {strides = array<i32>} : memref<49152xf32, #tpu.memory_space<vmem>>, vector<16xf32>,
          %parallel_loop3A_322 = arith.subf %parallel_loop3A_321, %gather3A_21 : vector<16xf32>
          %parallel_loop3A_323 = arith.constant 32768 : i32
          %parallel_loop3A_324 = arith.addi %parallel_loop3A_323, %parallel_loop3A_314 : i32
          %parallel_loop3A_325 = arith.index_cast %parallel_loop3A_324 : i32 to index
          %parallel_loop3A_326 = tpu.vector_load %arg5[%parallel_loop3A_325] {strides = array<i32>} : memref<49152xf32, #tpu.memory_space<vmem>>, vector<16xf32>,
          %parallel_loop3A_327 = arith.subf %parallel_loop3A_326, %gather3A_25 : vector<16xf32>
          %parallel_loop3A_328 = arith.mulf %parallel_loop3A_317, %parallel_loop3A_317 : vector<16xf32>
          %parallel_loop3A_329 = arith.mulf %parallel_loop3A_322, %parallel_loop3A_322 : vector<16xf32>
          %parallel_loop3A_330 = arith.addf %parallel_loop3A_328, %parallel_loop3A_329 : vector<16xf32>
          %parallel_loop3A_331 = arith.mulf %parallel_loop3A_327, %parallel_loop3A_327 : vector<16xf32>
          %parallel_loop3A_332 = arith.addf %parallel_loop3A_330, %parallel_loop3A_331 : vector<16xf32>
          %parallel_loop3A_333 = arith.index_cast %parallel_loop3A_314 : i32 to index
          %parallel_loop3A_334 = tpu.vector_load %arg6[%parallel_loop3A_333] {strides = array<i32>} : memref<16384xf32, #tpu.memory_space<vmem>>, vector<16xf32>,
          %parallel_loop3A_335 = arith.minimumf %parallel_loop3A_334, %parallel_loop3A_332 : vector<16xf32>
          %parallel_loop3A_336 = arith.index_cast %parallel_loop3A_314 : i32 to index
          %parallel_loop3A_337 = tpu.vector_load %arg6[%parallel_loop3A_336] {strides = array<i32>} : memref<16384xf32, #tpu.memory_space<vmem>>, vector<16xf32>,
          tpu.vector_store %arg6[%parallel_loop3A_336], %parallel_loop3A_335 {strides = array<i32>} : memref<16384xf32, #tpu.memory_space<vmem>>, vector<16xf32>,
          %parallel_loop3A_338 = arith.cmpf ogt, %parallel_loop3A_335, %parallel_loop3A_166 : vector<16xf32>
          %parallel_loop3A_339 = arith.select %parallel_loop3A_338, %parallel_loop3A_335, %parallel_loop3A_166 : vector<16xi1>, vector<16xf32>
          %parallel_loop3A_340 = arith.select %parallel_loop3A_338, %parallel_loop3A_172, %parallel_loop3A_167 : vector<16xi1>, vector<16xi32>
          %parallel_loop3A_341 = arith.constant 96 : i32
          %parallel_loop3A_342 = arith.addi %parallel_loop3A_155, %parallel_loop3A_341 : i32
          %parallel_loop3A_343 = arith.index_cast %parallel_loop3A_342 : i32 to index
          %parallel_loop3A_344 = tpu.vector_load %arg5[%parallel_loop3A_343] {strides = array<i32>} : memref<49152xf32, #tpu.memory_space<vmem>>, vector<16xf32>,
          %parallel_loop3A_345 = arith.subf %parallel_loop3A_344, %gather3A_17 : vector<16xf32>
          %parallel_loop3A_346 = arith.constant 16384 : i32
          %parallel_loop3A_347 = arith.addi %parallel_loop3A_346, %parallel_loop3A_342 : i32
          %parallel_loop3A_348 = arith.index_cast %parallel_loop3A_347 : i32 to index
          %parallel_loop3A_349 = tpu.vector_load %arg5[%parallel_loop3A_348] {strides = array<i32>} : memref<49152xf32, #tpu.memory_space<vmem>>, vector<16xf32>,
          %parallel_loop3A_350 = arith.subf %parallel_loop3A_349, %gather3A_21 : vector<16xf32>
          %parallel_loop3A_351 = arith.constant 32768 : i32
          %parallel_loop3A_352 = arith.addi %parallel_loop3A_351, %parallel_loop3A_342 : i32
          %parallel_loop3A_353 = arith.index_cast %parallel_loop3A_352 : i32 to index
          %parallel_loop3A_354 = tpu.vector_load %arg5[%parallel_loop3A_353] {strides = array<i32>} : memref<49152xf32, #tpu.memory_space<vmem>>, vector<16xf32>,
          %parallel_loop3A_355 = arith.subf %parallel_loop3A_354, %gather3A_25 : vector<16xf32>
          %parallel_loop3A_356 = arith.mulf %parallel_loop3A_345, %parallel_loop3A_345 : vector<16xf32>
          %parallel_loop3A_357 = arith.mulf %parallel_loop3A_350, %parallel_loop3A_350 : vector<16xf32>
          %parallel_loop3A_358 = arith.addf %parallel_loop3A_356, %parallel_loop3A_357 : vector<16xf32>
          %parallel_loop3A_359 = arith.mulf %parallel_loop3A_355, %parallel_loop3A_355 : vector<16xf32>
          %parallel_loop3A_360 = arith.addf %parallel_loop3A_358, %parallel_loop3A_359 : vector<16xf32>
          %parallel_loop3A_361 = arith.index_cast %parallel_loop3A_342 : i32 to index
          %parallel_loop3A_362 = tpu.vector_load %arg6[%parallel_loop3A_361] {strides = array<i32>} : memref<16384xf32, #tpu.memory_space<vmem>>, vector<16xf32>,
          %parallel_loop3A_363 = arith.minimumf %parallel_loop3A_362, %parallel_loop3A_360 : vector<16xf32>
          %parallel_loop3A_364 = arith.index_cast %parallel_loop3A_342 : i32 to index
          %parallel_loop3A_365 = tpu.vector_load %arg6[%parallel_loop3A_364] {strides = array<i32>} : memref<16384xf32, #tpu.memory_space<vmem>>, vector<16xf32>,
          tpu.vector_store %arg6[%parallel_loop3A_364], %parallel_loop3A_363 {strides = array<i32>} : memref<16384xf32, #tpu.memory_space<vmem>>, vector<16xf32>,
          %parallel_loop3A_366 = arith.cmpf ogt, %parallel_loop3A_363, %parallel_loop3A_168 : vector<16xf32>
          %parallel_loop3A_367 = arith.select %parallel_loop3A_366, %parallel_loop3A_363, %parallel_loop3A_168 : vector<16xi1>, vector<16xf32>
          %parallel_loop3A_368 = arith.select %parallel_loop3A_366, %parallel_loop3A_172, %parallel_loop3A_169 : vector<16xi1>, vector<16xi32>
          %parallel_loop3A_369 = arith.constant 112 : i32
          %parallel_loop3A_370 = arith.addi %parallel_loop3A_155, %parallel_loop3A_369 : i32
          %parallel_loop3A_371 = arith.index_cast %parallel_loop3A_370 : i32 to index
          %parallel_loop3A_372 = tpu.vector_load %arg5[%parallel_loop3A_371] {strides = array<i32>} : memref<49152xf32, #tpu.memory_space<vmem>>, vector<16xf32>,
          %parallel_loop3A_373 = arith.subf %parallel_loop3A_372, %gather3A_17 : vector<16xf32>
          %parallel_loop3A_374 = arith.constant 16384 : i32
          %parallel_loop3A_375 = arith.addi %parallel_loop3A_374, %parallel_loop3A_370 : i32
          %parallel_loop3A_376 = arith.index_cast %parallel_loop3A_375 : i32 to index
          %parallel_loop3A_377 = tpu.vector_load %arg5[%parallel_loop3A_376] {strides = array<i32>} : memref<49152xf32, #tpu.memory_space<vmem>>, vector<16xf32>,
          %parallel_loop3A_378 = arith.subf %parallel_loop3A_377, %gather3A_21 : vector<16xf32>
          %parallel_loop3A_379 = arith.constant 32768 : i32
          %parallel_loop3A_380 = arith.addi %parallel_loop3A_379, %parallel_loop3A_370 : i32
          %parallel_loop3A_381 = arith.index_cast %parallel_loop3A_380 : i32 to index
          %parallel_loop3A_382 = tpu.vector_load %arg5[%parallel_loop3A_381] {strides = array<i32>} : memref<49152xf32, #tpu.memory_space<vmem>>, vector<16xf32>,
          %parallel_loop3A_383 = arith.subf %parallel_loop3A_382, %gather3A_25 : vector<16xf32>
          %parallel_loop3A_384 = arith.mulf %parallel_loop3A_373, %parallel_loop3A_373 : vector<16xf32>
          %parallel_loop3A_385 = arith.mulf %parallel_loop3A_378, %parallel_loop3A_378 : vector<16xf32>
          %parallel_loop3A_386 = arith.addf %parallel_loop3A_384, %parallel_loop3A_385 : vector<16xf32>
          %parallel_loop3A_387 = arith.mulf %parallel_loop3A_383, %parallel_loop3A_383 : vector<16xf32>
          %parallel_loop3A_388 = arith.addf %parallel_loop3A_386, %parallel_loop3A_387 : vector<16xf32>
          %parallel_loop3A_389 = arith.index_cast %parallel_loop3A_370 : i32 to index
          %parallel_loop3A_390 = tpu.vector_load %arg6[%parallel_loop3A_389] {strides = array<i32>} : memref<16384xf32, #tpu.memory_space<vmem>>, vector<16xf32>,
          %parallel_loop3A_391 = arith.minimumf %parallel_loop3A_390, %parallel_loop3A_388 : vector<16xf32>
          %parallel_loop3A_392 = arith.index_cast %parallel_loop3A_370 : i32 to index
          %parallel_loop3A_393 = tpu.vector_load %arg6[%parallel_loop3A_392] {strides = array<i32>} : memref<16384xf32, #tpu.memory_space<vmem>>, vector<16xf32>,
          tpu.vector_store %arg6[%parallel_loop3A_392], %parallel_loop3A_391 {strides = array<i32>} : memref<16384xf32, #tpu.memory_space<vmem>>, vector<16xf32>,
          %parallel_loop3A_394 = arith.cmpf ogt, %parallel_loop3A_391, %parallel_loop3A_170 : vector<16xf32>
          %parallel_loop3A_395 = arith.select %parallel_loop3A_394, %parallel_loop3A_391, %parallel_loop3A_170 : vector<16xi1>, vector<16xf32>
          %parallel_loop3A_396 = arith.select %parallel_loop3A_394, %parallel_loop3A_172, %parallel_loop3A_171 : vector<16xi1>, vector<16xi32>
          scf.yield %parallel_loop3A_199, %parallel_loop3A_200, %parallel_loop3A_227, %parallel_loop3A_228, %parallel_loop3A_255, %parallel_loop3A_256, %parallel_loop3A_283, %parallel_loop3A_284, %parallel_loop3A_311, %parallel_loop3A_312, %parallel_loop3A_339, %parallel_loop3A_340, %parallel_loop3A_367, %parallel_loop3A_368, %parallel_loop3A_395, %parallel_loop3A_396 : vector<16xf32>, vector<16xi32>, vector<16xf32>, vector<16xi32>, vector<16xf32>, vector<16xi32>, vector<16xf32>, vector<16xi32>, vector<16xf32>, vector<16xi32>, vector<16xf32>, vector<16xi32>, vector<16xf32>, vector<16xi32>, vector<16xf32>, vector<16xi32>
        } {sc.loop_unroll_factor = 1 : i64, sc.parallel_access}
        %add3A_62 = arith.constant 0 : i32
        %add3A_63 = vector.broadcast %add3A_62 : i32 to vector<16xi32>
        %add3A_64 = arith.addi %iota3A, %add3A_63 : vector<16xi32>
        %add3A_65 = arith.addi %parallel_loop3A_61#1, %add3A_64 : vector<16xi32>
        %add3A_66 = arith.constant 16 : i32
        %add3A_67 = vector.broadcast %add3A_66 : i32 to vector<16xi32>
        %add3A_68 = arith.addi %iota3A, %add3A_67 : vector<16xi32>
        %add3A_69 = arith.addi %parallel_loop3A_61#3, %add3A_68 : vector<16xi32>
        %add3A_70 = arith.constant 32 : i32
        %add3A_71 = vector.broadcast %add3A_70 : i32 to vector<16xi32>
        %add3A_72 = arith.addi %iota3A, %add3A_71 : vector<16xi32>
        %add3A_73 = arith.addi %parallel_loop3A_61#5, %add3A_72 : vector<16xi32>
        %add3A_74 = arith.constant 48 : i32
        %add3A_75 = vector.broadcast %add3A_74 : i32 to vector<16xi32>
        %add3A_76 = arith.addi %iota3A, %add3A_75 : vector<16xi32>
        %add3A_77 = arith.addi %parallel_loop3A_61#7, %add3A_76 : vector<16xi32>
        %add3A_78 = arith.constant 64 : i32
        %add3A_79 = vector.broadcast %add3A_78 : i32 to vector<16xi32>
        %add3A_80 = arith.addi %iota3A, %add3A_79 : vector<16xi32>
        %add3A_81 = arith.addi %parallel_loop3A_61#9, %add3A_80 : vector<16xi32>
        %add3A_82 = arith.constant 80 : i32
        %add3A_83 = vector.broadcast %add3A_82 : i32 to vector<16xi32>
        %add3A_84 = arith.addi %iota3A, %add3A_83 : vector<16xi32>
        %add3A_85 = arith.addi %parallel_loop3A_61#11, %add3A_84 : vector<16xi32>
        %add3A_86 = arith.constant 96 : i32
        %add3A_87 = vector.broadcast %add3A_86 : i32 to vector<16xi32>
        %add3A_88 = arith.addi %iota3A, %add3A_87 : vector<16xi32>
        %add3A_89 = arith.addi %parallel_loop3A_61#13, %add3A_88 : vector<16xi32>
        %add3A_90 = arith.constant 112 : i32
        %add3A_91 = vector.broadcast %add3A_90 : i32 to vector<16xi32>
        %add3A_92 = arith.addi %iota3A, %add3A_91 : vector<16xi32>
        %add3A_93 = arith.addi %parallel_loop3A_61#15, %add3A_92 : vector<16xi32>
        %gt3A = arith.cmpf ogt, %parallel_loop3A_61#2, %parallel_loop3A_61#0 : vector<16xf32>
        %eq3A_94 = arith.cmpf oeq, %parallel_loop3A_61#2, %parallel_loop3A_61#0 : vector<16xf32>
        %lt3A_95 = arith.cmpi slt, %add3A_69, %add3A_65 : vector<16xi32>
        %and3A = arith.andi %eq3A_94, %lt3A_95 : vector<16xi1>
        %or3A = arith.ori %gt3A, %and3A : vector<16xi1>
        %select_n3A = arith.select %or3A, %parallel_loop3A_61#2, %parallel_loop3A_61#0 : vector<16xi1>, vector<16xf32>
        %select_n3A_96 = arith.select %or3A, %add3A_69, %add3A_65 : vector<16xi1>, vector<16xi32>
        %gt3A_97 = arith.cmpf ogt, %parallel_loop3A_61#4, %select_n3A : vector<16xf32>
        %eq3A_98 = arith.cmpf oeq, %parallel_loop3A_61#4, %select_n3A : vector<16xf32>
        %lt3A_99 = arith.cmpi slt, %add3A_73, %select_n3A_96 : vector<16xi32>
        %and3A_100 = arith.andi %eq3A_98, %lt3A_99 : vector<16xi1>
        %or3A_101 = arith.ori %gt3A_97, %and3A_100 : vector<16xi1>
        %select_n3A_102 = arith.select %or3A_101, %parallel_loop3A_61#4, %select_n3A : vector<16xi1>, vector<16xf32>
        %select_n3A_103 = arith.select %or3A_101, %add3A_73, %select_n3A_96 : vector<16xi1>, vector<16xi32>
        %gt3A_104 = arith.cmpf ogt, %parallel_loop3A_61#6, %select_n3A_102 : vector<16xf32>
        %eq3A_105 = arith.cmpf oeq, %parallel_loop3A_61#6, %select_n3A_102 : vector<16xf32>
        %lt3A_106 = arith.cmpi slt, %add3A_77, %select_n3A_103 : vector<16xi32>
        %and3A_107 = arith.andi %eq3A_105, %lt3A_106 : vector<16xi1>
        %or3A_108 = arith.ori %gt3A_104, %and3A_107 : vector<16xi1>
        %select_n3A_109 = arith.select %or3A_108, %parallel_loop3A_61#6, %select_n3A_102 : vector<16xi1>, vector<16xf32>
        %select_n3A_110 = arith.select %or3A_108, %add3A_77, %select_n3A_103 : vector<16xi1>, vector<16xi32>
        %gt3A_111 = arith.cmpf ogt, %parallel_loop3A_61#8, %select_n3A_109 : vector<16xf32>
        %eq3A_112 = arith.cmpf oeq, %parallel_loop3A_61#8, %select_n3A_109 : vector<16xf32>
        %lt3A_113 = arith.cmpi slt, %add3A_81, %select_n3A_110 : vector<16xi32>
        %and3A_114 = arith.andi %eq3A_112, %lt3A_113 : vector<16xi1>
        %or3A_115 = arith.ori %gt3A_111, %and3A_114 : vector<16xi1>
        %select_n3A_116 = arith.select %or3A_115, %parallel_loop3A_61#8, %select_n3A_109 : vector<16xi1>, vector<16xf32>
        %select_n3A_117 = arith.select %or3A_115, %add3A_81, %select_n3A_110 : vector<16xi1>, vector<16xi32>
        %gt3A_118 = arith.cmpf ogt, %parallel_loop3A_61#10, %select_n3A_116 : vector<16xf32>
        %eq3A_119 = arith.cmpf oeq, %parallel_loop3A_61#10, %select_n3A_116 : vector<16xf32>
        %lt3A_120 = arith.cmpi slt, %add3A_85, %select_n3A_117 : vector<16xi32>
        %and3A_121 = arith.andi %eq3A_119, %lt3A_120 : vector<16xi1>
        %or3A_122 = arith.ori %gt3A_118, %and3A_121 : vector<16xi1>
        %select_n3A_123 = arith.select %or3A_122, %parallel_loop3A_61#10, %select_n3A_116 : vector<16xi1>, vector<16xf32>
        %select_n3A_124 = arith.select %or3A_122, %add3A_85, %select_n3A_117 : vector<16xi1>, vector<16xi32>
        %gt3A_125 = arith.cmpf ogt, %parallel_loop3A_61#12, %select_n3A_123 : vector<16xf32>
        %eq3A_126 = arith.cmpf oeq, %parallel_loop3A_61#12, %select_n3A_123 : vector<16xf32>
        %lt3A_127 = arith.cmpi slt, %add3A_89, %select_n3A_124 : vector<16xi32>
        %and3A_128 = arith.andi %eq3A_126, %lt3A_127 : vector<16xi1>
        %or3A_129 = arith.ori %gt3A_125, %and3A_128 : vector<16xi1>
        %select_n3A_130 = arith.select %or3A_129, %parallel_loop3A_61#12, %select_n3A_123 : vector<16xi1>, vector<16xf32>
        %select_n3A_131 = arith.select %or3A_129, %add3A_89, %select_n3A_124 : vector<16xi1>, vector<16xi32>
        %gt3A_132 = arith.cmpf ogt, %parallel_loop3A_61#14, %select_n3A_130 : vector<16xf32>
        %eq3A_133 = arith.cmpf oeq, %parallel_loop3A_61#14, %select_n3A_130 : vector<16xf32>
        %lt3A_134 = arith.cmpi slt, %add3A_93, %select_n3A_131 : vector<16xi32>
        %and3A_135 = arith.andi %eq3A_133, %lt3A_134 : vector<16xi1>
        %or3A_136 = arith.ori %gt3A_132, %and3A_135 : vector<16xi1>
        %select_n3A_137 = arith.select %or3A_136, %parallel_loop3A_61#14, %select_n3A_130 : vector<16xi1>, vector<16xf32>
        %select_n3A_138 = arith.select %or3A_136, %add3A_93, %select_n3A_131 : vector<16xi1>, vector<16xi32>
        %reduce_max3A = arith.constant true
        %reduce_max3A_139 = vector.broadcast %reduce_max3A : i1 to vector<16xi1>
        %reduce_max3A_140 = tpu.scan <max>, %select_n3A_137 masked %reduce_max3A_139 : vector<16xf32>, vector<16xi1> -> vector<16xf32>
        %reduce_max3A_141 = vector.extract %reduce_max3A_140[15] : f32 from vector<16xf32>
        %eq3A_142 = vector.broadcast %reduce_max3A_141 : f32 to vector<16xf32>
        %eq3A_143 = arith.cmpf oeq, %select_n3A_137, %eq3A_142 : vector<16xf32>
        %broadcast_in_dim3A_144 = arith.constant 1073741824 : i32
        %broadcast_in_dim3A_145 = vector.broadcast %broadcast_in_dim3A_144 : i32 to vector<16xi32>
        %select_n3A_146 = arith.select %eq3A_143, %select_n3A_138, %broadcast_in_dim3A_145 : vector<16xi1>, vector<16xi32>
        %reduce_min3A = arith.constant true
        %reduce_min3A_147 = vector.broadcast %reduce_min3A : i1 to vector<16xi1>
        %reduce_min3A_148 = arith.constant -2147483648 : i32
        %reduce_min3A_149 = vector.broadcast %reduce_min3A_148 : i32 to vector<16xi32>
        %reduce_min3A_150 = arith.xori %select_n3A_146, %reduce_min3A_149 : vector<16xi32>
        %reduce_min3A_151 = tpu.scan <min>, %reduce_min3A_150 masked %reduce_min3A_147 : vector<16xi32>, vector<16xi1> -> vector<16xi32>
        %reduce_min3A_152 = arith.xori %reduce_min3A_151, %reduce_min3A_149 : vector<16xi32>
        %reduce_min3A_153 = vector.extract %reduce_min3A_152[15] : i32 from vector<16xi32>
        %broadcast_in_dim3A_154 = vector.broadcast %reduce_min3A_153 : i32 to vector<16xi32>
        scf.yield %broadcast_in_dim3A_154 : vector<16xi32>
      }
      %scan3A_13 = arith.constant 512 : i32
      "tpu.region"() ({
        %run_scoped3A = tpu.sem_alloc : memref<!tpu.dma_semaphore, #tpu.memory_space<semaphore_mem>>
        %dma_start3A = arith.constant 0 : i32
        %dma_start3A_14 = tpu.memref_slice %arg4[%add3A, %dma_start3A] : memref<16x512xi32, #tpu.memory_space<hbm>> -> memref<1x512xi32, #tpu.memory_space<hbm>>
        %dma_start3A_15 = tpu.memref_squeeze %dma_start3A_14 : memref<1x512xi32, #tpu.memory_space<hbm>> -> memref<512xi32, #tpu.memory_space<hbm>>
        %dma_start3A_16 = arith.constant 0 : i32
        %dma_start3A_17 = tpu.memref_slice %arg4[%add3A, %dma_start3A_16] : memref<16x512xi32, #tpu.memory_space<hbm>> -> memref<1x512xi32, #tpu.memory_space<hbm>>
        %dma_start3A_18 = tpu.memref_squeeze %dma_start3A_17 : memref<1x512xi32, #tpu.memory_space<hbm>> -> memref<512xi32, #tpu.memory_space<hbm>>
        tpu.enqueue_dma source(%arg7 : memref<512xi32, #tpu.memory_space<vmem>>) target(%dma_start3A_18 : memref<512xi32, #tpu.memory_space<hbm>>) target_semaphore(%run_scoped3A : memref<!tpu.dma_semaphore, #tpu.memory_space<semaphore_mem>>)
        %dma_wait3A = arith.constant 0 : i32
        %dma_wait3A_19 = tpu.memref_slice %arg4[%add3A, %dma_wait3A] : memref<16x512xi32, #tpu.memory_space<hbm>> -> memref<1x512xi32, #tpu.memory_space<hbm>>
        %dma_wait3A_20 = tpu.memref_squeeze %dma_wait3A_19 : memref<1x512xi32, #tpu.memory_space<hbm>> -> memref<512xi32, #tpu.memory_space<hbm>>
        %dma_wait3A_21 = arith.constant 0 : i32
        %dma_wait3A_22 = tpu.memref_slice %arg4[%add3A, %dma_wait3A_21] : memref<16x512xi32, #tpu.memory_space<hbm>> -> memref<1x512xi32, #tpu.memory_space<hbm>>
        %dma_wait3A_23 = tpu.memref_squeeze %dma_wait3A_22 : memref<1x512xi32, #tpu.memory_space<hbm>> -> memref<512xi32, #tpu.memory_space<hbm>>
        tpu.wait_dma2 semaphore(%run_scoped3A : memref<!tpu.dma_semaphore, #tpu.memory_space<semaphore_mem>>) src(%arg7 : memref<512xi32, #tpu.memory_space<vmem>>) dst(%dma_wait3A_23 : memref<512xi32, #tpu.memory_space<hbm>>)
        tpu.yield
      }) : () -> ()
    } else {
    }
    return
  }
}

</mosaic_0001>

<sc_bundles>
// kernel: kernel.3.cloned.1.call-start
scs
__scs_entry_jumppad:
0x0: {  	(pc) =	sbr.rel $0x88, $3  }
0x1: {  	(tag) =	ssettag $0x0;
	lr =	simm.s32 $0x1  }
0x2: {  	[smem:$0x3FA0] =	sst lr;
	_ =	strace $0xD0000000  }
0x3: {  	_ = 	snop  }
0x4: {  	_ = 	snop  }
0x5: {  	_ = 	snop  }
0x6: {  	_ = 	snop  }
0x7: {  	_ = 	snop  }
__scs_overlays_trampoline_lowered:
0x8: {  	[smem:$0x3FAF] =	sst s0  }
0x9: {  	[smem:$0x3FB0] =	sst s1  }
0xa: {  	[smem:$0x3FB1] =	sst s2  }
0xb: {  	[smem:$0x3FB2] =	sst s3  }
0xc: {  	[smem:$0x3FB3] =	sst s4  }
0xd: {  	[smem:$0x3FB4] =	sst s5  }
0xe: {  	[smem:$0x3FB5] =	sst s6  }
0xf: {  	[smem:$0x3FB6] =	sst s7  }
0x10: {  	[smem:$0x3FB7] =	sst s8  }
0x11: {  	[smem:$0x3FB8] =	sst s9;
	s0 =	simm.s32 @!p0 $0x0  }
0x12: {  	s1 =	sld [smem:$0x3F9E];
	s0 =	simm.s32 @p0 $0x1  }
0x13: {  	[smem:$0x3FB9] =	sst s0;
	s0 =	simm.s32 @!p1 $0x0  }
0x14: {  	s2 =	sld [smem:$0x3F9D];
	s0 =	simm.s32 @p1 $0x1  }
0x15: {  	[smem:$0x3FBA] =	sst s0;
	s0 =	simm.s32 @!p2 $0x0  }
0x16: {  	s3 =	sld [smem:$0x3FDB];
	s0 =	simm.s32 @p2 $0x1  }
0x17: {  	s4 =	simm.s32 $0x1BF5;
	[smem:$0x3FBC] =	sst s0  }
0x18: {  	s0 =	sld [smem:$0x3F9F];
	_ =	swait.ge [sflag:s4], $0x0  }
0x19: {  	s7 =	sld [smem:$0x3FA0]  }
0x1a: {  	s8 =	sadd.s32 $0xFFFFE003, lr  }
0x1b: {  	s9 =	sadd.s32 $0xFFFFFEF7, lr;
	s5 =	simm.s32 $0xFFFFFFFF;
	p2 =	slt.u32 s8, $0xFFFFF086  }
0x1c: {  	p1 =	slt.u32 s9, $0xF7A;
	s5 =	simm.s32 @!p2 $0x0  }
0x1d: {  	s5 =	simm.s32 @p1 $0x1;
	p0 =	seq.s32 s7, s2  }
0x1e: {  	s7 =	smul.u32 @!p0 $0xF7A, s2;
	p2 =	seq.s32 @!p0 s5, $0x0  }
0x1f: {  	s9 =	smul.u32 $0xF7A, s1;
	s8 =	simm.s32 @!p0 $0x1BF5;
	p2 =	por !p2, p0  }
0x20: {  	[sflag:s8] =	ssyncset.s32 @!p0 $0xFFFFF086;
	s6 =	sadd.s32 @!p0 s3, s7;
	s7 =	simm.s32 @!p0 $0x108  }
0x21: {  	s3 =	sadd.s32 s3, s9;
	s6 =	sadd.s32 @!p0 $0x88, s6;
	s7 =	simm.s32 @p2 $0x1082  }
0x22: {  	[simem:s7], [sflag:s8] =	dma.local @!p0 [hbm:s6], $0xF7A  }
0x23: {  	s9 =	sor.u32 $0xD0000000, s2;
	s6 =	simm.s32 $0x108;
	_ =	swait.ge @!p0 [sflag:s8], $0x0  }
0x24: {  	s3 =	sadd.s32 $0x88, s3;
	s6 =	simm.s32 @!p1 $0x1082;
	[sflag:s4] =	ssyncset.s32 $0xFFFFF086  }
0x25: {  	[simem:s6], [sflag:s4] =	dma.local [hbm:s3], $0xF7A  }
0x26: {  	[smem:$0x3FA0] =	sst s1;
	(tag) =	ssettag s2;
	_ =	strace s9  }
0x27: {  	s1 =	sld [smem:$0x3FB0]  }
0x28: {  	s2 =	sld [smem:$0x3FB1]  }
0x29: {  	s4 =	sld [smem:$0x3FB3]  }
0x2a: {  	p0 =	seq.s32 s5, $0x0;
	s5 =	sld [smem:$0x3FB4]  }
0x2b: {  	s6 =	sld [smem:$0x3FB5]  }
0x2c: {  	s7 =	sld [smem:$0x3FB6]  }
0x2d: {  	s3 =	simm.s32 $0x108;
	s8 =	sld [smem:$0x3FB7]  }
0x2e: {  	s3 =	simm.s32 @!p0 $0x1082;
	s9 =	sld [smem:$0x3FB8]  }
0x2f: {  	lr =	sadd.s32 s0, s3;
	s0 =	sld [smem:$0x3FAF]  }
0x30: {  	s3 =	sld [smem:$0x3FB2]  }
0x31: {  	[smem:$0x3FBB] =	sst s10  }
0x32: {  	s10 =	sld [smem:$0x3FB9];
	_ =	sdelay $0x3  }
0x33: {  	p0 =	seq.s32 s10, $0x1;
	s10 =	sld [smem:$0x3FBB];
	_ =	sdelay $0x3  }
0x34: {  	[smem:$0x3FBB] =	sst s10  }
0x35: {  	s10 =	sld [smem:$0x3FBA];
	_ =	sdelay $0x3  }
0x36: {  	p1 =	seq.s32 s10, $0x1;
	s10 =	sld [smem:$0x3FBB];
	_ =	sdelay $0x3  }
0x37: {  	[smem:$0x3FBB] =	sst s10  }
0x38: {  	s10 =	sld [smem:$0x3FBC]  }
0x39: {  	_ = 	snop;
	(pc) =	sbr.ind lr, $3  }
0x3a: {  	_ = 	snop  }
0x3b: {  	_ = 	snop  }
0x3c: {  	p2 =	seq.s32 s10, $0x1;
	s10 =	sld [smem:$0x3FBB]  }
0x3d: {  	_ =	shalt  }
0x3e: {  	_ =	shalt  }
0x3f: {  	_ =	shalt  }
0x40: {  	_ =	shalt  }
0x41: {  	_ =	shalt  }
0x42: {  	_ =	shalt  }
0x43: {  	_ =	shalt  }
0x44: {  	_ =	shalt  }
0x45: {  	_ =	shalt  }
0x46: {  	_ =	shalt  }
0x47: {  	_ =	shalt  }
0x48: {  	_ =	shalt  }
0x49: {  	_ =	shalt  }
0x4a: {  	_ =	shalt  }
0x4b: {  	_ =	shalt  }
0x4c: {  	_ =	shalt  }
0x4d: {  	_ =	shalt  }
0x4e: {  	_ =	shalt  }
0x4f: {  	_ =	shalt  }
0x50: {  	_ =	shalt  }
0x51: {  	_ =	shalt  }
0x52: {  	_ =	shalt  }
0x53: {  	_ =	shalt  }
0x54: {  	_ =	shalt  }
0x55: {  	_ =	shalt  }
0x56: {  	_ =	shalt  }
0x57: {  	_ =	shalt  }
0x58: {  	_ =	shalt  }
0x59: {  	_ =	shalt  }
0x5a: {  	_ =	shalt  }
0x5b: {  	_ =	shalt  }
0x5c: {  	_ =	shalt  }
0x5d: {  	_ =	shalt  }
0x5e: {  	_ =	shalt  }
0x5f: {  	_ =	shalt  }
0x60: {  	_ =	shalt  }
0x61: {  	_ =	shalt  }
0x62: {  	_ =	shalt  }
0x63: {  	_ =	shalt  }
0x64: {  	_ =	shalt  }
0x65: {  	_ =	shalt  }
0x66: {  	_ =	shalt  }
0x67: {  	_ =	shalt  }
0x68: {  	_ =	shalt  }
0x69: {  	_ =	shalt  }
0x6a: {  	_ =	shalt  }
0x6b: {  	_ =	shalt  }
0x6c: {  	_ =	shalt  }
0x6d: {  	_ =	shalt  }
0x6e: {  	_ =	shalt  }
0x6f: {  	_ =	shalt  }
0x70: {  	_ =	shalt  }
0x71: {  	_ =	shalt  }
0x72: {  	_ =	shalt  }
0x73: {  	_ =	shalt  }
0x74: {  	_ =	shalt  }
0x75: {  	_ =	shalt  }
0x76: {  	_ =	shalt  }
0x77: {  	_ =	shalt  }
0x78: {  	_ =	shalt  }
0x79: {  	_ =	shalt  }
0x7a: {  	_ =	shalt  }
0x7b: {  	_ =	shalt  }
0x7c: {  	_ =	shalt  }
0x7d: {  	_ =	shalt  }
0x7e: {  	_ =	shalt  }
0x7f: {  	_ =	shalt  }
0x80: {  	_ =	shalt  }
0x81: {  	_ =	shalt  }
0x82: {  	_ =	shalt  }
0x83: {  	_ =	shalt  }
0x84: {  	_ =	shalt  }
0x85: {  	_ =	shalt  }
0x86: {  	_ =	shalt  }
0x87: {  	_ =	shalt  }
.Lfunc_end0:
.L_simem_size_0:
called_computation_lowered:
.L_overlay_start_0:
0x88: {  	s2 =	sld [smem:$0x3FD9]  }
0x89: {  	s3 =	sld [smem:$0x3FFE];
	_ =	sdelay $0x1  }
0x8a: {  	s1 =	srdreg.scid  }
0x8b: {  	s0 =	sand.u32 $0x1, s1  }
0x8c: {  	s17 =	sshll.u32 s0, $0xA;
	s2 =	sadd.s32 s3, s2  }
0x8d: {  	s2 =	sadd.s32 s2, s17  }
0x8e: {  	[smem:$0x3FC7] =	sst s2  }
0x8f: {  	_ = 	snop  }
0x90: {  	s2 =	sld [smem:$0x3FD0];
	(tm) =	ssettm $0x1  }
0x91: {  	s18 =	sld [smem:$0x3FFB];
	_ =	sdelay $0x3  }
0x92: {  	_ =	strace s18  }
0x93: {  	s3 =	sld [smem:$0x3FFC];
	_ =	sdelay $0x3  }
0x94: {  	_ =	strace s3  }
0x95: {  	s3 =	sld [smem:$0x3FFD];
	_ =	sdelay $0x3  }
0x96: {  	_ =	strace s3  }
0x97: {  	_ =	strace $0x8FFFFFFF  }
0x98: {  	s19 =	sld [smem:$0x3FDB];
	_ =	sdelay $0x1  }
0x99: {  	s4 =	simm.s32 $_scs_section_size  }
0x9a: {  	s5 =	simm.s32 $_size__tile_overlayer_lowered;
	s6 =	simm.s32 $_tile_overlayer_lowered  }
0x9b: {  	s22 =	simm.s32 $0x1BFF;
	s21 =	sshll.u32 s6, $0x1;
	s3 =	sadd.s32 s4, s19  }
0x9c: {  	s7 =	simm.s32 $0x0;
	s20 =	sshll.u32 s5, $0x1;
	s5 =	sadd.s32 s21, s3  }
0x9d: {  	[timem:s7], [sflag:s22] =	dma.local [hbm:s5], s20  }
0x9e: {  	_ =	swait.ge [sflag:s22], s20  }
0x9f: {  	s4 =	ssub.s32 $0x0, s20;
	[sflag:s22] =	ssyncset.done $0x0  }
0xa0: {  	[sflag:s22] =	ssyncadd.s32 s4;
	_ =	sdelay $0x1  }
0xa1: {  	s23 =	simm.s32 $0x1B8B  }
0xa2: {  	_ =	swait.ge [sflag:s23], $0x1  }
0xa3: {  	[sflag:s23] =	ssyncset.done $0x0  }
0xa4: {  	s25 =	simm.s32 $0x1B8E;
	s24 =	sld [smem:$0x3FFE];
	[sflag:s23] =	ssyncadd.s32 $0xFFFFFFFF  }
0xa5: {  	s26 =	simm.s32 $execute0_lowered;
	[smem:$0x3FD2] =	sst s25  }
0xa6: {  	s5 =	sshll.u32 s26, $0x1;
	_ =	strace $0x80000046;
	[dreg:$0x1] =	wrdreg $0xFFFFFFFF  }
0xa7: {  	s28 =	simm.s32 $_size_execute0_lowered;
	s3 =	sadd.s32 s3, s5;
	[dreg:$0x0] =	wrdreg $0x0  }
0xa8: {  	s5 =	sshll.u32 s28, $0x1;
	[dreg:$0x2] =	wrdreg s3  }
0xa9: {  	[dreg:$0x3] =	wrdreg s5  }
0xaa: {  	[dreg:$0x4] =	wrdreg $0xC0  }
0xab: {  	_ =	task [dreg:s7], $0x5FFFF  }
0xac: {  	[dreg:$0x1] =	wrdreg $0xFFFFFFFF  }
0xad: {  	[dreg:$0x0] =	wrdreg $0x60  }
0xae: {  	[dreg:$0x2] =	wrdreg s24  }
0xaf: {  	[dreg:$0x3] =	wrdreg s2  }
0xb0: {  	[dreg:$0x4] =	wrdreg $0x9  }
0xb1: {  	_ =	task.clear_ibuf [dreg:s7], $0x5FFFF;
	_ =	strace $0x90000046  }
0xb2: {  	s29 =	simm.s32 $0x9;
	_ =	strace $0x80000048  }
0xb3: {  	_ =	swait.ge [sflag:s29], $0x1  }
0xb4: {  	[sflag:s29] =	ssyncadd.s32 $0xFFFFFFFF  }
0xb5: {  	_ =	strace $0x90000048  }
0xb6: {  	_ =	sfence  }
0xb7: {  	s30 =	sld [smem:$0x0];
	_ =	sdelay $0x2  }
0xb8: {  	s31 =	sshll.u32 s1, $0xD;
	s1 =	sshrl.u32 s1, $0x2  }
0xb9: {  	s3 =	sand.u32 $0x4000, s31;
	s1 =	sadd.s32 s1, s30  }
0xba: {  	s0 =	sor.u32 s3, s0;
	s1 =	sshll.u32 s1, $0x11  }
0xbb: {  	s0 =	sor.u32 s1, s0  }
0xbc: {  	s0 =	sadd.s32 $0x8F2B, s0  }
0xbd: {  	[sflag:s0] =	ssyncadd.remote.s32 $0x1  }
0xbe: {  	_ =	sfence.sel $0xFFFF  }
0xbf: {  	[dreg:$0x0] =	wrdreg $0xFFFFFFFF;
	(pc) =	sbr.abs _section_cstart, $3  }
0xc0: {  	[dreg:$0x1] =	wrdreg $0xFFFFFFFF  }
0xc1: {  	_ =	task.clear_ibuf [dreg:s7], $0x2FFFF;
	_ =	strace $0x9FFFFFFF  }
0xc2: {  	(tm) =	ssettm $0x7FFFFFFF  }
0xc3: {  	_ =	shalt  }
tec
execute0_lowered:
.L_overlay_start_1:
0x0: {  	(tag) =	ssettag $0x1  }
0x1: {  	s1 =	stileid.u32  }
0x2: {  	p0 =	sgt.u32 s1, $0x7  }
.Ltmp0:
0x3: {  	_ = 	snop;
	(pc) =	sbr.rel @p0 .LBB2_9-.Ltmp0, $4  }
0x4: {  	s3 =	rddreg [dreg:$0x0]  }
0x5: {  	s4 =	rddreg [dreg:$0x1];
	s2 =	simm.s32 $0x0  }
0x6: {  	[smem:$0x7FF] =	sst s2  }
0x7: {  	s0 =	rddreg [dreg:$0x2];
	_ =	strace $0x80000047  }
0x8: {  	s5 =	srdreg.scid;
	s6 =	sshll.u32 s1, $0x1;
	s7 =	sadd.s32 $0xA00, s3  }
0x9: {  	s29 =	sshrl.u32 s1, $0x2;
	s3 =	sadd.s32 $0x800, s3;
	s5 =	sand.u32 $0x1, s5  }
0xa: {  	s12 =	simm.s32 $0x0;
	s9 =	smul.u32 $0x60000, s29;
	s10 =	sor.u32 s5, s6  }
0xb: {  	s6 =	sshll.u32 s29, $0xC;
	s5 =	ssub.s32 $0x2, s5;
	s8 =	sshll.u32 s10, $0x7  }
0xc: {  	s11 =	sshrl.u32 s5, $0x1;
	v0 =	vmov s10;
	s10 =	simm.s32 $0x10200;
	s8 =	sand.u32 $0x380, s8  }
0xd: {  	s30 =	ssub.s32 s5, s11;
	s11 =	simm.s32 $0x10000;
	s6 =	sor.u32 s6, s8  }
0xe: {  	s8 =	sor.u32 s9, s8;
	s9 =	simm.s32 $0x1;
	s6 =	sshrl.u32 s6, $0x3  }
0xf: {  	s31 =	sshrl.u32 s8, $0x3;
	s8 =	simm.s32 $0x400;
	s4 =	sadd.s32 s4, s6  }
0x10: {  	v1 =	vimm.f32 $1.000000000e+10;
	v2 =	vlaneseq.u32;
	s5 =	sadd.s32 s7, s31;
	s6 =	smax.u32 s30, $0x1;
	s7 =	simm.s32 $0x80  }
.LBB2_2:
0x11: {  	[tilespmem:s2], [sflag:$0x1] =	stream.strided.gather [hbm4b:s5+s7], $0xC000, s8, s7, $0x38;
	[tilespmem:$0x10280] =	vst v63  }
0x12: {  	_ =	swait.ge [sflag:s9], $0xC000  }
0x13: {  	[sflag:s9] =	ssyncset.done $0x0  }
0x14: {  	[sflag:s9] =	ssyncadd.s32 $0xFFFF4000  }
0x15: {  	[tilespmem:s10], [sflag:$0x1] =	stream.linear.gather [hbm4b:s3+s2], $0x80, $0x38;
	[tilespmem:$0x10280] =	vst v63  }
0x16: {  	_ =	swait.ge [sflag:s9], $0x80  }
0x17: {  	[sflag:s9] =	ssyncset.done $0x0  }
0x18: {  	s13 =	simm.s32 $0xC080;
	[sflag:s9] =	ssyncadd.s32 $0xFFFFFF80  }
0x19: {  	v3 =	vld.idx.msk [tilespmem:v0+s10+$0x0], $0xffff;
	[tilespmem:s13+$0xFFFFFF80] =	vst v1  }
0x1a: {  	[tilespmem:s13+$0x70] =	vst v1  }
0x1b: {  	[tilespmem:s13+$0x60] =	vst v1  }
0x1c: {  	[tilespmem:s13+$0x50] =	vst v1  }
0x1d: {  	[tilespmem:s13+$0x40] =	vst v1  }
0x1e: {  	[tilespmem:s13+$0x30] =	vst v1  }
0x1f: {  	[tilespmem:s13+$0x20] =	vst v1  }
0x20: {  	[tilespmem:s13+$0x10] =	vst v1  }
0x21: {  	[tilespmem:s13+$0x0] =	vst v1  }
0x22: {  	[tilespmem:s13+$0xFFFFFFF0] =	vst v1  }
0x23: {  	[tilespmem:s13+$0xFFFFFFE0] =	vst v1  }
0x24: {  	[tilespmem:s13+$0xFFFFFFD0] =	vst v1  }
0x25: {  	[tilespmem:s13+$0xFFFFFFC0] =	vst v1  }
0x26: {  	[tilespmem:s13+$0xFFFFFFB0] =	vst v1  }
0x27: {  	s14 =	simm.s32 $0x0;
	[tilespmem:s13+$0xFFFFFFA0] =	vst v1  }
.LBB2_3:
0x28: {  	s14 =	sadd.s32 $0x100, s14;
	[tilespmem:s13+$0xFFFFFF90] =	vst v1;
	s13 =	sadd.s32 $0x100, s13  }
0x29: {  	[tilespmem:s13+$0xFFFFFF80] =	vst v1;
	p0 =	slt.u32 s14, $0x3F00  }
0x2a: {  	[tilespmem:s13+$0x70] =	vst v1  }
0x2b: {  	[tilespmem:s13+$0x60] =	vst v1  }
0x2c: {  	[tilespmem:s13+$0x50] =	vst v1  }
0x2d: {  	[tilespmem:s13+$0x40] =	vst v1  }
0x2e: {  	[tilespmem:s13+$0x30] =	vst v1  }
0x2f: {  	[tilespmem:s13+$0x20] =	vst v1  }
0x30: {  	[tilespmem:s13+$0x10] =	vst v1  }
0x31: {  	[tilespmem:s13+$0x0] =	vst v1  }
0x32: {  	[tilespmem:s13+$0xFFFFFFF0] =	vst v1  }
.Ltmp1:
0x33: {  	[tilespmem:s13+$0xFFFFFFE0] =	vst v1;
	(pc) =	sbr.rel @p0 .LBB2_3-.Ltmp1, $4  }
0x34: {  	[tilespmem:s13+$0xFFFFFFD0] =	vst v1  }
0x35: {  	[tilespmem:s13+$0xFFFFFFC0] =	vst v1  }
0x36: {  	[tilespmem:s13+$0xFFFFFFB0] =	vst v1  }
0x37: {  	[tilespmem:s13+$0xFFFFFFA0] =	vst v1  }
0x38: {  	[tilespmem:s13+$0xFFFFFF90] =	vst v1;
	s13 =	simm.s32 $0x0;
	s14 =	simm.s32 $0x0  }
.LBB2_5:
0x39: {  	v4 =	vmov s14;
	_ =	sdelay $0x1  }
0x3a: {  	v5 =	vadd.s32 $0x4000, v3  }
0x3b: {  	v6 =	vadd.s32 $0x8000, v3;
	_ =	sdelay $0x1  }
0x3c: {  	[tilespmem:v4+s11+$0x0] =	vst.idx.msk $0x1, v3  }
0x3d: {  	v9 =	vld.idx.msk [tilespmem:v3+s13+$0x0], $0xffff  }
0x3e: {  	v7 =	vld.idx.msk [tilespmem:v5+s13+$0x0], $0xffff  }
0x3f: {  	s15 =	simm.s32 $0x0;
	v10 =	vld.idx.msk [tilespmem:v6+s13+$0x0], $0xffff  }
0x40: {  	v6 =	vld [tilespmem:s15+$0x8070]  }
0x41: {  	v3 =	vld [tilespmem:s15+$0x8060]  }
0x42: {  	v5 =	vld [tilespmem:s15+$0x4070]  }
0x43: {  	v11 =	vld [tilespmem:s15+$0x4060]  }
0x44: {  	v12 =	vld [tilespmem:s15+$0x70]  }
0x45: {  	v13 =	vld [tilespmem:s15+$0x60]  }
0x46: {  	v14 =	vld [tilespmem:s15+$0x8010]  }
0x47: {  	v17 =	vld [tilespmem:s15+$0x0]  }
0x48: {  	v18 =	vld [tilespmem:s15+$0x8050]  }
0x49: {  	v19 =	vld [tilespmem:s15+$0x50]  }
0x4a: {  	v27 =	vld [tilespmem:s15+$0x20];
	v11 =	vsub.f32 v11, v7;
	v13 =	vsub.f32 v13, v9  }
0x4b: {  	v25 =	vld [tilespmem:s15+$0x8030];
	v3 =	vsub.f32 v3, v10;
	v22 =	vsub.f32 v5, v7  }
0x4c: {  	v15 =	vld [tilespmem:s15+$0x8020];
	v12 =	vsub.f32 v12, v9;
	v6 =	vsub.f32 v6, v10  }
0x4d: {  	v8 =	vld [tilespmem:s15+$0xC070];
	v5 =	vimm.s32 $0x0;
	v18 =	vsub.f32 v18, v10;
	v17 =	vsub.f32 v17, v9  }
0x4e: {  	v26 =	vld [tilespmem:s15+$0x8040];
	v24 =	vsub.f32 v19, v9;
	v14 =	vsub.f32 v14, v10;
	v11 =	vmul.f32 v11, v11  }
0x4f: {  	v19 =	vld [tilespmem:s15+$0x4010];
	v43 =	vsub.f32 v27, v9;
	v13 =	vmul.f32 v13, v13;
	v22 =	vmul.f32 v22, v22  }
0x50: {  	v4 =	vld [tilespmem:s15+$0xC060];
	v34 =	vsub.f32 v25, v10;
	v12 =	vmul.f32 v12, v12;
	v6 =	vmul.f32 v6, v6  }
0x51: {  	v16 =	vld [tilespmem:s15+$0x4000];
	v17 =	vmul.f32 v17, v17;
	v29 =	vmul.f32 v14, v14;
	v14 =	vsub.f32 v15, v10  }
0x52: {  	v20 =	vld [tilespmem:s15+$0x4040];
	v11 =	vadd.f32 v11, v13;
	v13 =	vmul.f32 v3, v3;
	v3 =	vimm.f32 $-1.000000000e+00  }
0x53: {  	v23 =	vld [tilespmem:s15+$0x40];
	v12 =	vadd.f32 v22, v12;
	v22 =	vsub.f32 v26, v10;
	v35 =	vmul.f32 v14, v14  }
0x54: {  	v21 =	vld [tilespmem:s15+$0x30];
	v14 =	vimm.s32 $0x0;
	v15 =	vsub.f32 v19, v7;
	v11 =	vadd.f32 v13, v11  }
0x55: {  	v19 =	vimm.s32 $0x0;
	v12 =	vadd.f32 v6, v12;
	v37 =	vmul.f32 v22, v22  }
0x56: {  	v30 =	vld [tilespmem:s15+$0x4050];
	v22 =	vimm.s32 $0x0;
	v4 =	vmin.f32 v4, v11;
	v11 =	vsub.f32 v16, v7  }
0x57: {  	v13 =	vld [tilespmem:s15+$0x4020];
	v38 =	vmul.f32 v15, v15;
	v15 =	vimm.s32 $0x0;
	v16 =	vmul.f32 v18, v18  }
0x58: {  	v36 =	vld [tilespmem:s15+$0x10];
	v18 =	vsub.f32 v20, v7;
	v20 =	vsub.f32 v23, v9;
	v11 =	vmul.f32 v11, v11  }
0x59: {  	v33 =	vld [tilespmem:s15+$0x4030];
	v26 =	vmin.f32 v8, v12;
	v12 =	vsub.f32 v21, v9;
	v21 =	vimm.f32 $-1.000000000e+00  }
0x5a: {  	s17 =	simm.s32 $0x0;
	vm0 =	vgt.f32 v4, v3;
	v18 =	vmul.f32 v18, v18;
	v31 =	vadd.f32 v11, v17;
	v11 =	vld [tilespmem:s15+$0x8000]  }
0x5b: {  	v41 =	vld [tilespmem:s15+$0xC040];
	[tilespmem:s15+$0xC060] =	vst v4;
	v4 =	vsel vm0, v4, v3;
	v20 =	vmul.f32 v20, v20;
	v6 =	vsel vm0, s17, v5  }
0x5c: {  	v39 =	vld [tilespmem:s15+$0xC020];
	v32 =	vmul.f32 v12, v12;
	v12 =	vimm.f32 $-1.000000000e+00;
	v8 =	vsub.f32 v13, v7  }
0x5d: {  	v25 =	vld [tilespmem:s15+$0xC030];
	v13 =	vimm.f32 $-1.000000000e+00;
	v40 =	vadd.f32 v18, v20;
	v18 =	vimm.f32 $-1.000000000e+00  }
0x5e: {  	v27 =	vld [tilespmem:s15+$0xC010];
	v17 =	vimm.f32 $-1.000000000e+00;
	v20 =	vimm.f32 $-1.000000000e+00;
	v42 =	vmul.f32 v8, v8  }
0x5f: {  	s18 =	simm.s32 $0x200;
	s16 =	simm.s32 $0x0;
	v23 =	vld [tilespmem:s15+$0xC050];
	[tilespmem:s15+$0xC070] =	vst v26;
	v8 =	vimm.s32 $0x0;
	v44 =	vsub.f32 v11, v10;
	v11 =	vimm.s32 $0x0  }
.LBB2_6:
0x60: {  	s17 =	sadd.s32 $0x80, s17;
	s19 =	sshra.s32 s18, $0x2;
	v45 =	vld [tilespmem:s15+$0xC000];
	v36 =	vsub.f32 v36, v9;
	v37 =	vadd.f32 v37, v40;
	vm0 =	vgt.f32 v26, v3  }
0x61: {  	v43 =	vmul.f32 v43, v43;
	v30 =	vsub.f32 v30, v7;
	v28 =	vld [tilespmem:s19+$0xC070];
	p0 =	slt.u32 s17, $0x3F80;
	v40 =	vmul.f32 v44, v44  }
0x62: {  	v3 =	vsel vm0, v26, v3;
	v44 =	vld [tilespmem:s19+$0xC060];
	v36 =	vmul.f32 v36, v36;
	v37 =	vmin.f32 v41, v37  }
0x63: {  	v41 =	vadd.f32 v42, v43;
	v30 =	vmul.f32 v30, v30;
	v26 =	vld [tilespmem:s19+$0x8070];
	[tilespmem:s15+$0xC040] =	vst v37;
	vm1 =	vgt.f32 v37, v21  }
0x64: {  	v24 =	vmul.f32 v24, v24;
	v31 =	vadd.f32 v40, v31;
	v42 =	vld [tilespmem:s19+$0x8060];
	v36 =	vadd.f32 v38, v36  }
0x65: {  	v33 =	vsub.f32 v33, v7;
	v35 =	vadd.f32 v35, v41;
	v21 =	vsel vm1, v37, v21;
	v38 =	vld [tilespmem:s19+$0x4070]  }
0x66: {  	v24 =	vadd.f32 v30, v24;
	v31 =	vmin.f32 v45, v31;
	v37 =	vld [tilespmem:s19+$0x4060];
	v29 =	vadd.f32 v29, v36  }
0x67: {  	v34 =	vmul.f32 v34, v34;
	v33 =	vmul.f32 v33, v33;
	v35 =	vmin.f32 v39, v35;
	v30 =	vld [tilespmem:s19+$0x70];
	[tilespmem:s15+$0xC000] =	vst v31  }
0x68: {  	vm2 =	vgt.f32 v31, v18;
	v16 =	vadd.f32 v16, v24;
	vm3 =	vgt.f32 v35, v17;
	v36 =	vld [tilespmem:s19+$0x60];
	[tilespmem:s15+$0xC020] =	vst v35  }
0x69: {  	v5 =	vsel vm1, s16, v5;
	v18 =	vsel vm2, v31, v18;
	v17 =	vsel vm3, v35, v17;
	v39 =	vld [tilespmem:s19+$0x8010]  }
0x6a: {  	v19 =	vsel vm2, s16, v19;
	v31 =	vadd.f32 v33, v32;
	v35 =	vld [tilespmem:s19+$0x8020];
	v24 =	vsub.f32 v38, v7  }
0x6b: {  	v8 =	vsel vm0, s16, v8;
	v26 =	vsub.f32 v26, v10;
	v32 =	vld [tilespmem:s19+$0x4000];
	v33 =	vsub.f32 v37, v7  }
0x6c: {  	v38 =	vsub.f32 v42, v10;
	v37 =	vld [tilespmem:s19+$0x0];
	v40 =	vmul.f32 v24, v24;
	v24 =	vadd.f32 v34, v31  }
0x6d: {  	v15 =	vsel vm3, s16, v15;
	v16 =	vmin.f32 v23, v16;
	v31 =	vld [tilespmem:s19+$0x8050];
	v34 =	vsub.f32 v36, v9  }
0x6e: {  	vm0 =	vgt.f32 v16, v12;
	v33 =	vmul.f32 v33, v33;
	v23 =	vld [tilespmem:s19+$0x50];
	v24 =	vmin.f32 v25, v24;
	[tilespmem:s15+$0xC050] =	vst v16  }
0x6f: {  	v12 =	vsel vm0, v16, v12;
	v25 =	vld [tilespmem:s19+$0x4040];
	v34 =	vmul.f32 v34, v34;
	[tilespmem:s15+$0xC030] =	vst v24;
	vm1 =	vgt.f32 v24, v13  }
0x70: {  	v26 =	vmul.f32 v26, v26;
	v11 =	vsel vm0, s16, v11;
	v16 =	vsub.f32 v30, v9;
	v41 =	vld [tilespmem:s19+$0x30]  }
0x71: {  	v13 =	vsel vm1, v24, v13;
	v42 =	vld [tilespmem:s19+$0x8030];
	v30 =	vadd.f32 v33, v34;
	v33 =	vmul.f32 v38, v38  }
0x72: {  	v16 =	vmul.f32 v16, v16;
	v14 =	vsel vm1, s16, v14;
	v34 =	vld [tilespmem:s19+$0x40];
	v31 =	vsub.f32 v31, v10  }
0x73: {  	v27 =	vmin.f32 v27, v29;
	v38 =	vld [tilespmem:s19+$0x8040];
	v24 =	vsub.f32 v23, v9;
	v23 =	vadd.f32 v33, v30  }
0x74: {  	vm0 =	vgt.f32 v27, v20;
	v29 =	vsub.f32 v37, v9;
	v33 =	vadd.f32 v40, v16;
	v43 =	vld [tilespmem:s19+$0x4020];
	[tilespmem:s15+$0xC010] =	vst v27;
	s15 =	smov.u32 s19  }
0x75: {  	v32 =	vsub.f32 v32, v7;
	v16 =	vmul.f32 v31, v31;
	v45 =	vld [tilespmem:s15+$0x20];
	v23 =	vmin.f32 v44, v23  }
0x76: {  	v29 =	vmul.f32 v29, v29;
	v25 =	vsub.f32 v25, v7;
	v30 =	vld [tilespmem:s15+$0x4050];
	[tilespmem:s15+$0xC060] =	vst v23;
	vm1 =	vgt.f32 v23, v4  }
0x77: {  	v37 =	vsub.f32 v39, v10;
	v31 =	vmul.f32 v32, v32;
	v32 =	vld [tilespmem:s15+$0x4010];
	v34 =	vsub.f32 v34, v9  }
0x78: {  	v25 =	vmul.f32 v25, v25;
	v4 =	vsel vm1, v23, v4;
	v36 =	vld [tilespmem:s15+$0x10];
	v38 =	vsub.f32 v38, v10  }
0x79: {  	v31 =	vadd.f32 v31, v29;
	v29 =	vmul.f32 v37, v37;
	v34 =	vmul.f32 v34, v34;
	v23 =	vld [tilespmem:s15+$0xC050]  }
0x7a: {  	v20 =	vsel vm0, v27, v20;
	v26 =	vadd.f32 v26, v33;
	v39 =	vld [tilespmem:s15+$0x8000];
	v37 =	vmul.f32 v38, v38  }
.Ltmp2:
0x7b: {  	v22 =	vsel vm0, s16, v22;
	s16 =	smov.u32 s17;
	v27 =	vsub.f32 v35, v10;
	v33 =	vld [tilespmem:s15+$0x4030];
	v40 =	vadd.f32 v25, v34;
	(pc) =	sbr.rel @p0 .LBB2_6-.Ltmp2, $4  }
0x7c: {  	v6 =	vsel vm1, s16, v6;
	v26 =	vmin.f32 v28, v26;
	v32 =	vsub.f32 v32, v7;
	v25 =	vld [tilespmem:s15+$0xC030]  }
0x7d: {  	v46 =	vsub.f32 v41, v9;
	v35 =	vmul.f32 v27, v27;
	v28 =	vsub.f32 v43, v7;
	v41 =	vld [tilespmem:s15+$0xC040];
	[tilespmem:s15+$0xC070] =	vst v26  }
0x7e: {  	v43 =	vsub.f32 v45, v9;
	v34 =	vsub.f32 v42, v10;
	v38 =	vmul.f32 v32, v32;
	v27 =	vld [tilespmem:s15+$0xC010]  }
0x7f: {  	s18 =	sadd.s32 $0x200, s18;
	v42 =	vmul.f32 v28, v28;
	v32 =	vmul.f32 v46, v46;
	v44 =	vsub.f32 v39, v10;
	v39 =	vld [tilespmem:s15+$0xC020]  }
0x80: {  	v9 =	vsub.f32 v36, v9;
	v28 =	vadd.f32 v37, v40  }
0x81: {  	v52 =	vmul.f32 v43, v43;
	v30 =	vsub.f32 v30, v7;
	v24 =	vmul.f32 v24, v24  }
0x82: {  	v54 =	vsub.f32 v33, v7;
	v56 =	vmul.f32 v34, v34;
	v9 =	vmul.f32 v9, v9  }
0x83: {  	v10 =	vld [tilespmem:s15+$0xC000];
	v57 =	vor.u32 $0x10, v2;
	v58 =	vor.u32 $0x20, v2;
	v59 =	vor.u32 $0x30, v2  }
0x84: {  	v60 =	vor.u32 $0x40, v2;
	v53 =	vmul.f32 v44, v44;
	v9 =	vadd.f32 v38, v9  }
0x85: {  	v61 =	vor.u32 $0x50, v2;
	v28 =	vmin.f32 v41, v28;
	v36 =	vadd.f32 v42, v52  }
0x86: {  	v7 =	vmul.f32 v54, v54;
	v31 =	vadd.f32 v53, v31;
	v9 =	vadd.f32 v29, v9  }
0x87: {  	v30 =	vmul.f32 v30, v30;
	vm0 =	vgt.f32 v28, v21;
	v35 =	vadd.f32 v35, v36  }
0x88: {  	v7 =	vadd.f32 v7, v32;
	v10 =	vmin.f32 v10, v31;
	v9 =	vmin.f32 v27, v9  }
0x89: {  	v55 =	vmin.f32 v39, v35;
	vm1 =	vgt.f32 v10, v18;
	vm11 =	vgt.f32 v9, v20  }
0x8a: {  	v18 =	vsel vm1, v10, v18;
	v19 =	vsel vm1, s16, v19;
	v22 =	vsel vm11, s16, v22  }
0x8b: {  	v19 =	vadd.s32 v2, v19;
	v20 =	vsel vm11, v9, v20;
	v22 =	vadd.s32 v57, v22  }
0x8c: {  	v7 =	vadd.f32 v56, v7;
	vm1 =	veq.f32 v20, v18;
	vm3 =	vlt.s32 v22, v19  }
0x8d: {  	vm2 =	vgt.f32 v55, v17;
	vm12 =	vgt.f32 v20, v18;
	vm1 =	vmand vm1, vm3  }
0x8e: {  	v17 =	vsel vm2, v55, v17;
	v15 =	vsel vm2, s16, v15;
	vm1 =	vmor vm12, vm1  }
0x8f: {  	v15 =	vadd.s32 v58, v15;
	v18 =	vsel vm1, v20, v18;
	v19 =	vsel vm1, v22, v19  }
0x90: {  	v7 =	vmin.f32 v25, v7;
	vm14 =	veq.f32 v17, v18;
	vm15 =	vlt.s32 v15, v19  }
0x91: {  	vm13 =	vgt.f32 v7, v13;
	vm6 =	vgt.f32 v17, v18;
	vm2 =	vmand vm14, vm15  }
0x92: {  	v13 =	vsel vm13, v7, v13;
	v14 =	vsel vm13, s16, v14;
	vm7 =	vmor vm6, vm2  }
0x93: {  	v14 =	vadd.s32 v59, v14;
	v17 =	vsel vm7, v17, v18;
	v15 =	vsel vm7, v15, v19  }
0x94: {  	v24 =	vadd.f32 v30, v24;
	vm8 =	veq.f32 v13, v17;
	vm9 =	vlt.s32 v14, v15  }
0x95: {  	v21 =	vsel vm0, v28, v21;
	vm10 =	vgt.f32 v13, v17;
	vm1 =	vmand vm8, vm9  }
0x96: {  	v5 =	vsel vm0, s16, v5;
	v16 =	vadd.f32 v16, v24;
	vm0 =	vmor vm10, vm1  }
0x97: {  	v5 =	vadd.s32 v60, v5;
	v13 =	vsel vm0, v13, v17;
	v14 =	vsel vm0, v14, v15  }
0x98: {  	v16 =	vmin.f32 v23, v16;
	vm12 =	veq.f32 v21, v13;
	vm13 =	vlt.s32 v5, v14  }
0x99: {  	vm11 =	vgt.f32 v16, v12;
	vm14 =	vgt.f32 v21, v13;
	vm1 =	vmand vm12, vm13  }
0x9a: {  	v12 =	vsel vm11, v16, v12;
	v11 =	vsel vm11, s16, v11;
	vm15 =	vmor vm14, vm1  }
0x9b: {  	v11 =	vadd.s32 v61, v11;
	v13 =	vsel vm15, v21, v13;
	v5 =	vsel vm15, v5, v14  }
0x9c: {  	vm4 =	veq.f32 v12, v13;
	vm5 =	vlt.s32 v11, v5  }
0x9d: {  	vm6 =	vgt.f32 v12, v13;
	vm0 =	vmand vm4, vm5  }
0x9e: {  	v62 =	vor.u32 $0x60, v2;
	vm0 =	vmor vm6, vm0  }
0x9f: {  	v6 =	vadd.s32 v62, v6;
	v12 =	vsel vm0, v12, v13;
	v5 =	vsel vm0, v11, v5  }
0xa0: {  	v63 =	vor.u32 $0x70, v2;
	vm8 =	veq.f32 v4, v12;
	vm9 =	vlt.s32 v6, v5  }
0xa1: {  	vm7 =	vgt.f32 v26, v3;
	vm10 =	vgt.f32 v4, v12;
	vm1 =	vmand vm8, vm9  }
0xa2: {  	v3 =	vsel vm7, v26, v3;
	v8 =	vsel vm7, s16, v8;
	vm11 =	vmor vm10, vm1  }
0xa3: {  	v8 =	vadd.s32 v63, v8;
	v4 =	vsel vm11, v4, v12;
	v5 =	vsel vm11, v6, v5  }
0xa4: {  	vm12 =	veq.f32 v3, v4;
	vm13 =	vlt.s32 v8, v5  }
0xa5: {  	vm14 =	vgt.f32 v3, v4;
	vm0 =	vmand vm12, vm13  }
0xa6: {  	vm0 =	vmor vm14, vm0  }
0xa7: {  	v3 =	vsel vm0, v3, v4  }
0xa8: {  	(xrf0) =	vmax.scan.msk.f32 $0xffff, v3;
	_ =	sdelay $0x5  }
0xa9: {  	v4, _, _ =	vpop (xrf0)  }
0xaa: {  	v4 =	vbroadcast v4, $0xF  }
0xab: {  	v5 =	vsel vm0, v8, v5  }
0xac: {  	vm15 =	veq.f32 v3, v4;
	v3 =	vxor.u32 $0x80000000, v5  }
0xad: {  	v3 =	vnsel vm15, $0xC0000000, v3  }
0xae: {  	(xrf0) =	vmin.scan.msk.u32 $0xffff, v3;
	_ =	sdelay $0x5  }
0xaf: {  	v3, _, _ =	vpop (xrf0)  }
0xb0: {  	(v2sf) =	vpush v3, $0xF;
	_ =	sdelay $0xa  }
0xb1: {  	s14 =	sadd.s32 $0x1, s14  }
0xb2: {  	p0 =	sne.s32 s14, $0x200;
	[tilespmem:s15+$0xC040] =	vst v28  }
.Ltmp3:
0xb3: {  	[tilespmem:s15+$0xC000] =	vst v10;
	(pc) =	sbr.rel @p0 .LBB2_5-.Ltmp3, $4  }
0xb4: {  	[tilespmem:s15+$0xC020] =	vst v55  }
0xb5: {  	[tilespmem:s15+$0xC050] =	vst v16;
	s31 =	spop (v2sf)  }
0xb6: {  	[tilespmem:s15+$0xC030] =	vst v7;
	s16 =	sxor.u32 $0x80000000, s31  }
0xb7: {  	[tilespmem:s15+$0xC010] =	vst v9;
	v3 =	vmov s16  }
0xb8: {  	s12 =	sadd.s32 $0x1, s12  }
0xb9: {  	p0 =	sne.s32 s12, s6  }
.Ltmp4:
0xba: {  	_ = 	snop;
	(pc) =	sbr.rel @p0 .LBB2_2-.Ltmp4, $4  }
0xbb: {  	[hbm4b:s4+s7] =	stream.strided.scatter [tilespmem:s11], [sflag:$0x1], $0x200, s8, s7, $0x38;
	[tilespmem:$0x10280] =	vst v63  }
0xbc: {  	_ =	swait.ge [sflag:s9], $0x200  }
0xbd: {  	[sflag:s9] =	ssyncset.done $0x0  }
0xbe: {  	[sflag:s9] =	ssyncadd.s32 $0xFFFFFE00  }
.LBB2_9:
0xbf: {  	_ =	sfence.sel $0x180000  }
0xc0: {  	[bflag:$0x0] =	sbarrier.arrive $0xFFFF  }
0xc1: {  	p0 =	sne.s32 s1, $0x0;
	_ =	strace $0x90000047  }
0xc2: {  	s0 =	sadd.s32 @!p0 $0x100000, s0;
	[bflag:$0x2] =	sbarrier.arrive $0xFFFF  }
0xc3: {  	[sflag:s0] =	ssyncadd.tile.s32 @!p0 $0x1;
	_ =	shalt  }
.Lfunc_end2:
_tile_overlayer_lowered:
.L_overlay_start_2:
0xc4: {  	(tag) =	ssettag $0x2  }
0xc5: {  	s0 =	rddreg [dreg:$0x0];
	s2 =	stileid.u32  }
0xc6: {  	s1 =	rddreg [dreg:$0x1];
	p0 =	sne.s32 s2, $0x0  }
0xc7: {  	s3 =	rddreg [dreg:$0x2];
	[bflag:$0x3] =	sbarrier.arrive $0xFFFF;
	s2 =	simm.s32 @!p0 $0x1C01  }
0xc8: {  	[timem:s3], [sflag:s2] =	dma.local @!p0 [hbm:s0], s1  }
0xc9: {  	s0 =	simm.s32 @!p0 $0x1  }
0xca: {  	_ =	swait.ge @!p0 [sflag:s0], s1  }
0xcb: {  	s1 =	ssub.s32 @!p0 $0x0, s1;
	[sflag:s0] =	ssyncset.done @!p0 $0x0  }
0xcc: {  	[sflag:s0] =	ssyncadd.s32 @!p0 s1  }
0xcd: {  	[bflag:$0x3] =	sbarrier.arrive $0xFFFF  }
0xce: {  	_ =	shalt  }

</sc_bundles>
